<compile_context>
chip_gen: v7x
topology: tpu7x:2x2x1
jax: 0.10.2.dev20260603
libtpu: 0.0.44.dev20260713+nightly
codegen_flags: <defaults>
</compile_context>

<pallas_src>
import jax
import jax.numpy as jnp
from jax import lax
from jax.experimental import pallas as pl
from jax.experimental.pallas import tpu as pltpu
from jax.experimental.pallas import tpu_sc as plsc

B = 16384
D = 64
NC = 2
NS = 16
NW = NC * NS
CHUNK = 128
ROWS_PER_W = B // NW
NCHUNK = ROWS_PER_W // CHUNK
NBUF = 2
LANES = 16


def _swap_halves(cbuf, gbuf):
    def row(i, carry):
        for c in range(D // LANES):
            hi = pl.ds(D + c * LANES, LANES)
            lo = pl.ds(c * LANES, LANES)
            t = cbuf[i, hi]
            cbuf[i, hi] = gbuf[i, lo]
            gbuf[i, lo] = t
        return carry
    lax.fori_loop(0, CHUNK, row, 0)


def _gather_body(ct_hbm, g_hbm, wct, wg,
                 out0, out1,
                 cti_v, gi_v, cbuf, gbuf, gsem, ssem):
    wid = lax.axis_index("s") * NC + lax.axis_index("c")
    grp = (wid // 8) * 8
    row = wid % 8
    base = wid * ROWS_PER_W

    pltpu.sync_copy(ct_hbm.at[pl.ds(grp, 8)], cti_v)
    pltpu.sync_copy(g_hbm.at[pl.ds(grp, 8)], gi_v)

    def fire_gathers(j):
        s = j % NBUF
        cols = pl.ds(j * CHUNK, CHUNK)
        return (pltpu.async_copy(wct.at[cti_v.at[row, cols]], cbuf.at[s], gsem.at[s]),
                pltpu.async_copy(wg.at[gi_v.at[row, cols]], gbuf.at[s], gsem.at[s]))

    gth = [None] * NCHUNK
    sto = [None] * NCHUNK
    for j in range(NBUF):
        gth[j] = fire_gathers(j)
    for j in range(NCHUNK):
        s = j % NBUF
        gth[j][0].wait()
        gth[j][1].wait()
        _swap_halves(cbuf.at[s], gbuf.at[s])
        rows = pl.ds(base + j * CHUNK, CHUNK)
        sto[j] = (pltpu.async_copy(cbuf.at[s], out0.at[rows], ssem.at[s]),
                  pltpu.async_copy(gbuf.at[s], out1.at[rows], ssem.at[s]))
        if j + NBUF < NCHUNK:
            sto[j][0].wait()
            sto[j][1].wait()
            gth[j + NBUF] = fire_gathers(j + NBUF)
    for j in range(max(0, NCHUNK - NBUF), NCHUNK):
        sto[j][0].wait()
        sto[j][1].wait()


def kernel(celltype, gene, W_celltype_0, W_celltype_1, W_gene_0, W_gene_1):
    ct2 = celltype.astype(jnp.int32).reshape(NW, ROWS_PER_W)
    g2 = gene.astype(jnp.int32).reshape(NW, ROWS_PER_W)
    wct = jnp.concatenate([W_celltype_0, W_celltype_1], axis=1)
    wg = jnp.concatenate([W_gene_0, W_gene_1], axis=1)

    mesh = plsc.VectorSubcoreMesh(core_axis_name="c", subcore_axis_name="s")
    out0, out1 = pl.kernel(
        _gather_body,
        out_type=(
            jax.ShapeDtypeStruct((B, 2 * D), jnp.float32),
            jax.ShapeDtypeStruct((B, 2 * D), jnp.float32),
        ),
        mesh=mesh,
        scratch_types=[
            pltpu.VMEM((8, ROWS_PER_W), jnp.int32),
            pltpu.VMEM((8, ROWS_PER_W), jnp.int32),
            pltpu.VMEM((NBUF, CHUNK, 2 * D), jnp.float32),
            pltpu.VMEM((NBUF, CHUNK, 2 * D), jnp.float32),
            pltpu.SemaphoreType.DMA((NBUF,)),
            pltpu.SemaphoreType.DMA((NBUF,)),
        ],
        compiler_params=pltpu.CompilerParams(use_tc_tiling_on_sc=True),
        name="embedding_dict_sc",
    )(ct2, g2, wct, wg)

    return (out0.reshape(B, 2, D), out1.reshape(B, 2, D))

# --- scband reference (transcript-rebuilt; emitter-appended) ---
"""Pipeline reference for scband-embedding-dict-86423331930546 (READ-ONLY COPY).

The authoritative reference and input builder live on the scoring server;
editing this copy changes nothing except your own understanding.
"""

import jax, jax.numpy as jnp
import numpy as np

B = 16384
D = 64          # size = embedding_dim * embedding_tokens = 64 * 1
DEPTH = 2
VOCAB_CT = 1000
VOCAB_GENE = 100000


def setup_inputs(seed: int = 0) -> dict:
    key = jax.random.key(seed)
    ks = jax.random.split(key, 6)
    inp = {}
    # forward dict inputs (keys sorted: ['celltype', 'gene'])
    inp['celltype'] = jax.random.randint(ks[0], (B,), 0, VOCAB_CT, dtype=jnp.int32)
    inp['gene'] = jax.random.randint(ks[1], (B,), 0, VOCAB_GENE, dtype=jnp.int32)
    # learned embedding tables: one nn.Embedding per key per depth layer
    inp['W_celltype_0'] = jax.random.normal(ks[2], (VOCAB_CT, D), dtype=jnp.float32)
    inp['W_celltype_1'] = jax.random.normal(ks[3], (VOCAB_CT, D), dtype=jnp.float32)
    inp['W_gene_0'] = jax.random.normal(ks[4], (VOCAB_GENE, D), dtype=jnp.float32)
    inp['W_gene_1'] = jax.random.normal(ks[5], (VOCAB_GENE, D), dtype=jnp.float32)
    return inp


def reference(celltype, gene, W_celltype_0, W_celltype_1, W_gene_0, W_gene_1):
    # Eval-mode forward of EmbeddingDict (mask_ratio inactive in eval; norm_layer=None -> Identity).
    # keys = sorted(num_embed_dict) = ['celltype', 'gene']
    tables = {
        'celltype': [W_celltype_0, W_celltype_1],
        'gene': [W_gene_0, W_gene_1],
    }
    indices = {'celltype': celltype, 'gene': gene}
    out = []
    for k in ['celltype', 'gene']:
        idx = indices[k].astype(jnp.int32)
        # each depth layer: Embedding -> Identity norm -> Rearrange 'b (n d) -> b n d' with n=1, d=64
        emb_list = [jnp.take(t, idx, axis=0).reshape(B, 1, D) for t in tables[k]]
        out.append(emb_list)
    # out = [cat over keys along token dim for each depth layer]
    outs = [jnp.concatenate(embs, axis=1) for embs in zip(*out)]
    return tuple(outs)  # DEPTH tensors of shape [B, 2, D]

if __name__ == "__main__":
    import jax
    _d = setup_inputs()
    print(jax.jit(kernel)(*tuple(_d.values())))

</pallas_src>

<mosaic_0001>
#map = affine_map<(d0, d1) -> (0, 0)>
module attributes {stable_mosaic.version = 14 : i64} {
  func.func @embedding_dict_sc(%arg0: i32, %arg1: i32, %arg2: memref<32x512xi32, #tpu.memory_space<hbm>>, %arg3: memref<32x512xi32, #tpu.memory_space<hbm>>, %arg4: memref<1000x128xf32, #tpu.memory_space<hbm>>, %arg5: memref<100000x128xf32, #tpu.memory_space<hbm>>, %arg6: memref<16384x128xf32, #tpu.memory_space<hbm>>, %arg7: memref<16384x128xf32, #tpu.memory_space<hbm>>, %arg8: memref<8x512xi32, #tpu.memory_space<vmem>>, %arg9: memref<8x512xi32, #tpu.memory_space<vmem>>, %arg10: memref<2x128x128xf32, #tpu.memory_space<vmem>>, %arg11: memref<2x128x128xf32, #tpu.memory_space<vmem>>, %arg12: memref<2x!tpu.dma_semaphore, #tpu.memory_space<semaphore_mem>>, %arg13: memref<2x!tpu.dma_semaphore, #tpu.memory_space<semaphore_mem>>) attributes {dimension_semantics = [#tpu.dimension_semantics<core_parallel>, #tpu.dimension_semantics<subcore_parallel>], iteration_bounds = array<i64: 2, 16>, scalar_prefetch = 0 : i64, scratch_operands = 6 : i64, tpu.core_type = #tpu.core_type<sc_vector_subcore>, window_params = [{transform_indices = #map}, {transform_indices = #map}, {transform_indices = #map}, {transform_indices = #map}, {transform_indices = #map}, {transform_indices = #map}]} {
    %mul3A = arith.constant 2 : i32
    %mul3A_0 = arith.muli %arg1, %mul3A : i32
    %add3A = arith.addi %mul3A_0, %arg0 : i32
    %jit3A = arith.constant 8 : i32
    %div3A = arith.divsi %add3A, %jit3A : i32
    %sign3A = arith.constant 0 : i32
    %sign3A_1 = arith.cmpi sgt, %add3A, %sign3A : i32
    %sign3A_2 = arith.extui %sign3A_1 : i1 to i32
    %sign3A_3 = arith.constant 0 : i32
    %sign3A_4 = arith.cmpi slt, %add3A, %sign3A_3 : i32
    %sign3A_5 = arith.extui %sign3A_4 : i1 to i32
    %sign3A_6 = arith.subi %sign3A_2, %sign3A_5 : i32
    %sign3A_7 = arith.constant 0 : i32
    %sign3A_8 = arith.cmpi sgt, %jit3A, %sign3A_7 : i32
    %sign3A_9 = arith.extui %sign3A_8 : i1 to i32
    %sign3A_10 = arith.constant 0 : i32
    %sign3A_11 = arith.cmpi slt, %jit3A, %sign3A_10 : i32
    %sign3A_12 = arith.extui %sign3A_11 : i1 to i32
    %sign3A_13 = arith.subi %sign3A_9, %sign3A_12 : i32
    %ne3A = arith.cmpi ne, %sign3A_6, %sign3A_13 : i32
    %rem3A = arith.remsi %add3A, %jit3A : i32
    %ne3A_14 = arith.constant 0 : i32
    %ne3A_15 = arith.cmpi ne, %rem3A, %ne3A_14 : i32
    %and3A = arith.andi %ne3A, %ne3A_15 : i1
    %sub3A = arith.constant 1 : i32
    %sub3A_16 = arith.subi %div3A, %sub3A : i32
    %select_n3A = arith.select %and3A, %sub3A_16, %div3A : i32
    %mul3A_17 = arith.constant 8 : i32
    %mul3A_18 = arith.muli %select_n3A, %mul3A_17 : i32
    %jit3A_19 = arith.constant 8 : i32
    %eq3A = arith.constant 0 : i32
    %eq3A_20 = arith.cmpi eq, %jit3A_19, %eq3A : i32
    %jit3A_21 = arith.constant 1 : i32
    %select_n3A_22 = arith.select %eq3A_20, %jit3A_21, %jit3A_19 : i32
    %rem3A_23 = arith.remsi %add3A, %select_n3A_22 : i32
    %ne3A_24 = arith.constant 0 : i32
    %ne3A_25 = arith.cmpi ne, %rem3A_23, %ne3A_24 : i32
    %lt3A = arith.constant 0 : i32
    %lt3A_26 = arith.cmpi slt, %rem3A_23, %lt3A : i32
    %lt3A_27 = arith.constant 0 : i32
    %lt3A_28 = arith.cmpi slt, %select_n3A_22, %lt3A_27 : i32
    %ne3A_29 = arith.xori %lt3A_26, %lt3A_28 : i1
    %and3A_30 = arith.andi %ne3A_29, %ne3A_25 : i1
    %add3A_31 = arith.addi %rem3A_23, %select_n3A_22 : i32
    %select_n3A_32 = arith.select %and3A_30, %add3A_31, %rem3A_23 : i32
    %mul3A_33 = arith.constant 512 : i32
    %mul3A_34 = arith.muli %add3A, %mul3A_33 : i32
    "tpu.region"() ({
      %run_scoped3A = tpu.sem_alloc : memref<!tpu.dma_semaphore, #tpu.memory_space<semaphore_mem>>
      %dma_start3A_552 = arith.constant 0 : i32
      %dma_start3A_553 = tpu.memref_slice %arg2[%mul3A_18, %dma_start3A_552] : memref<32x512xi32, #tpu.memory_space<hbm>> -> memref<8x512xi32, #tpu.memory_space<hbm>>
      %dma_start3A_554 = arith.constant 0 : i32
      %dma_start3A_555 = tpu.memref_slice %arg2[%mul3A_18, %dma_start3A_554] : memref<32x512xi32, #tpu.memory_space<hbm>> -> memref<8x512xi32, #tpu.memory_space<hbm>>
      tpu.enqueue_dma source(%dma_start3A_555 : memref<8x512xi32, #tpu.memory_space<hbm>>) target(%arg8 : memref<8x512xi32, #tpu.memory_space<vmem>>) target_semaphore(%run_scoped3A : memref<!tpu.dma_semaphore, #tpu.memory_space<semaphore_mem>>)
      %dma_wait3A_556 = arith.constant 0 : i32
      %dma_wait3A_557 = tpu.memref_slice %arg2[%mul3A_18, %dma_wait3A_556] : memref<32x512xi32, #tpu.memory_space<hbm>> -> memref<8x512xi32, #tpu.memory_space<hbm>>
      %dma_wait3A_558 = arith.constant 0 : i32
      %dma_wait3A_559 = tpu.memref_slice %arg2[%mul3A_18, %dma_wait3A_558] : memref<32x512xi32, #tpu.memory_space<hbm>> -> memref<8x512xi32, #tpu.memory_space<hbm>>
      tpu.wait_dma2 semaphore(%run_scoped3A : memref<!tpu.dma_semaphore, #tpu.memory_space<semaphore_mem>>) src(%dma_wait3A_559 : memref<8x512xi32, #tpu.memory_space<hbm>>) dst(%arg8 : memref<8x512xi32, #tpu.memory_space<vmem>>)
      tpu.yield
    }) : () -> ()
    "tpu.region"() ({
      %run_scoped3A = tpu.sem_alloc : memref<!tpu.dma_semaphore, #tpu.memory_space<semaphore_mem>>
      %dma_start3A_552 = arith.constant 0 : i32
      %dma_start3A_553 = tpu.memref_slice %arg3[%mul3A_18, %dma_start3A_552] : memref<32x512xi32, #tpu.memory_space<hbm>> -> memref<8x512xi32, #tpu.memory_space<hbm>>
      %dma_start3A_554 = arith.constant 0 : i32
      %dma_start3A_555 = tpu.memref_slice %arg3[%mul3A_18, %dma_start3A_554] : memref<32x512xi32, #tpu.memory_space<hbm>> -> memref<8x512xi32, #tpu.memory_space<hbm>>
      tpu.enqueue_dma source(%dma_start3A_555 : memref<8x512xi32, #tpu.memory_space<hbm>>) target(%arg9 : memref<8x512xi32, #tpu.memory_space<vmem>>) target_semaphore(%run_scoped3A : memref<!tpu.dma_semaphore, #tpu.memory_space<semaphore_mem>>)
      %dma_wait3A_556 = arith.constant 0 : i32
      %dma_wait3A_557 = tpu.memref_slice %arg3[%mul3A_18, %dma_wait3A_556] : memref<32x512xi32, #tpu.memory_space<hbm>> -> memref<8x512xi32, #tpu.memory_space<hbm>>
      %dma_wait3A_558 = arith.constant 0 : i32
      %dma_wait3A_559 = tpu.memref_slice %arg3[%mul3A_18, %dma_wait3A_558] : memref<32x512xi32, #tpu.memory_space<hbm>> -> memref<8x512xi32, #tpu.memory_space<hbm>>
      tpu.wait_dma2 semaphore(%run_scoped3A : memref<!tpu.dma_semaphore, #tpu.memory_space<semaphore_mem>>) src(%dma_wait3A_559 : memref<8x512xi32, #tpu.memory_space<hbm>>) dst(%arg9 : memref<8x512xi32, #tpu.memory_space<vmem>>)
      tpu.yield
    }) : () -> ()
    %dma_start3A = arith.constant 0 : i32
    %dma_start3A_35 = arith.constant 0 : i32
    %dma_start3A_36 = arith.constant 0 : i32
    %dma_start3A_37 = arith.constant 0 : i32
    %dma_start3A_38 = tpu.memref_slice %arg10[%dma_start3A, %dma_start3A_36, %dma_start3A_37] : memref<2x128x128xf32, #tpu.memory_space<vmem>> -> memref<1x128x128xf32, #tpu.memory_space<vmem>>
    %dma_start3A_39 = tpu.memref_squeeze %dma_start3A_38 : memref<1x128x128xf32, #tpu.memory_space<vmem>> -> memref<128x128xf32, #tpu.memory_space<vmem>>
    %dma_start3A_40 = arith.constant 0 : i32
    %dma_start3A_41 = tpu.memref_slice %arg8[%select_n3A_32, %dma_start3A_40] : memref<8x512xi32, #tpu.memory_space<vmem>> -> memref<1x128xi32, #tpu.memory_space<vmem>>
    %dma_start3A_42 = tpu.memref_squeeze %dma_start3A_41 : memref<1x128xi32, #tpu.memory_space<vmem>> -> memref<128xi32, #tpu.memory_space<vmem>>
    %dma_start3A_43 = arith.constant 0 : i32
    %dma_start3A_44 = arith.constant 0 : i32
    %dma_start3A_45 = tpu.memref_slice %arg4[%dma_start3A_43, %dma_start3A_44] : memref<1000x128xf32, #tpu.memory_space<hbm>> -> memref<1000x128xf32, #tpu.memory_space<hbm>>
    %dma_start3A_46 = tpu.memref_slice %arg12[%dma_start3A_35] : memref<2x!tpu.dma_semaphore, #tpu.memory_space<semaphore_mem>> -> memref<1x!tpu.dma_semaphore, #tpu.memory_space<semaphore_mem>>
    %dma_start3A_47 = tpu.memref_squeeze %dma_start3A_46 : memref<1x!tpu.dma_semaphore, #tpu.memory_space<semaphore_mem>> -> memref<!tpu.dma_semaphore, #tpu.memory_space<semaphore_mem>>
    tpu.enqueue_indirect_dma source(%dma_start3A_45 : memref<1000x128xf32, #tpu.memory_space<hbm>>) target(%dma_start3A_39 : memref<128x128xf32, #tpu.memory_space<vmem>>) offsets(%dma_start3A_42 : memref<128xi32, #tpu.memory_space<vmem>>) semaphore(%dma_start3A_47 : memref<!tpu.dma_semaphore, #tpu.memory_space<semaphore_mem>>)
    %dma_start3A_48 = arith.constant 0 : i32
    %dma_start3A_49 = arith.constant 0 : i32
    %dma_start3A_50 = arith.constant 0 : i32
    %dma_start3A_51 = arith.constant 0 : i32
    %dma_start3A_52 = tpu.memref_slice %arg11[%dma_start3A_48, %dma_start3A_50, %dma_start3A_51] : memref<2x128x128xf32, #tpu.memory_space<vmem>> -> memref<1x128x128xf32, #tpu.memory_space<vmem>>
    %dma_start3A_53 = tpu.memref_squeeze %dma_start3A_52 : memref<1x128x128xf32, #tpu.memory_space<vmem>> -> memref<128x128xf32, #tpu.memory_space<vmem>>
    %dma_start3A_54 = arith.constant 0 : i32
    %dma_start3A_55 = tpu.memref_slice %arg9[%select_n3A_32, %dma_start3A_54] : memref<8x512xi32, #tpu.memory_space<vmem>> -> memref<1x128xi32, #tpu.memory_space<vmem>>
    %dma_start3A_56 = tpu.memref_squeeze %dma_start3A_55 : memref<1x128xi32, #tpu.memory_space<vmem>> -> memref<128xi32, #tpu.memory_space<vmem>>
    %dma_start3A_57 = arith.constant 0 : i32
    %dma_start3A_58 = arith.constant 0 : i32
    %dma_start3A_59 = tpu.memref_slice %arg5[%dma_start3A_57, %dma_start3A_58] : memref<100000x128xf32, #tpu.memory_space<hbm>> -> memref<100000x128xf32, #tpu.memory_space<hbm>>
    %dma_start3A_60 = tpu.memref_slice %arg12[%dma_start3A_49] : memref<2x!tpu.dma_semaphore, #tpu.memory_space<semaphore_mem>> -> memref<1x!tpu.dma_semaphore, #tpu.memory_space<semaphore_mem>>
    %dma_start3A_61 = tpu.memref_squeeze %dma_start3A_60 : memref<1x!tpu.dma_semaphore, #tpu.memory_space<semaphore_mem>> -> memref<!tpu.dma_semaphore, #tpu.memory_space<semaphore_mem>>
    tpu.enqueue_indirect_dma source(%dma_start3A_59 : memref<100000x128xf32, #tpu.memory_space<hbm>>) target(%dma_start3A_53 : memref<128x128xf32, #tpu.memory_space<vmem>>) offsets(%dma_start3A_56 : memref<128xi32, #tpu.memory_space<vmem>>) semaphore(%dma_start3A_61 : memref<!tpu.dma_semaphore, #tpu.memory_space<semaphore_mem>>)
    %dma_start3A_62 = arith.constant 1 : i32
    %dma_start3A_63 = arith.constant 1 : i32
    %dma_start3A_64 = arith.constant 0 : i32
    %dma_start3A_65 = arith.constant 0 : i32
    %dma_start3A_66 = tpu.memref_slice %arg10[%dma_start3A_62, %dma_start3A_64, %dma_start3A_65] : memref<2x128x128xf32, #tpu.memory_space<vmem>> -> memref<1x128x128xf32, #tpu.memory_space<vmem>>
    %dma_start3A_67 = tpu.memref_squeeze %dma_start3A_66 : memref<1x128x128xf32, #tpu.memory_space<vmem>> -> memref<128x128xf32, #tpu.memory_space<vmem>>
    %dma_start3A_68 = arith.constant 128 : i32
    %dma_start3A_69 = tpu.memref_slice %arg8[%select_n3A_32, %dma_start3A_68] : memref<8x512xi32, #tpu.memory_space<vmem>> -> memref<1x128xi32, #tpu.memory_space<vmem>>
    %dma_start3A_70 = tpu.memref_squeeze %dma_start3A_69 : memref<1x128xi32, #tpu.memory_space<vmem>> -> memref<128xi32, #tpu.memory_space<vmem>>
    %dma_start3A_71 = arith.constant 0 : i32
    %dma_start3A_72 = arith.constant 0 : i32
    %dma_start3A_73 = tpu.memref_slice %arg4[%dma_start3A_71, %dma_start3A_72] : memref<1000x128xf32, #tpu.memory_space<hbm>> -> memref<1000x128xf32, #tpu.memory_space<hbm>>
    %dma_start3A_74 = tpu.memref_slice %arg12[%dma_start3A_63] : memref<2x!tpu.dma_semaphore, #tpu.memory_space<semaphore_mem>> -> memref<1x!tpu.dma_semaphore, #tpu.memory_space<semaphore_mem>>
    %dma_start3A_75 = tpu.memref_squeeze %dma_start3A_74 : memref<1x!tpu.dma_semaphore, #tpu.memory_space<semaphore_mem>> -> memref<!tpu.dma_semaphore, #tpu.memory_space<semaphore_mem>>
    tpu.enqueue_indirect_dma source(%dma_start3A_73 : memref<1000x128xf32, #tpu.memory_space<hbm>>) target(%dma_start3A_67 : memref<128x128xf32, #tpu.memory_space<vmem>>) offsets(%dma_start3A_70 : memref<128xi32, #tpu.memory_space<vmem>>) semaphore(%dma_start3A_75 : memref<!tpu.dma_semaphore, #tpu.memory_space<semaphore_mem>>)
    %dma_start3A_76 = arith.constant 1 : i32
    %dma_start3A_77 = arith.constant 1 : i32
    %dma_start3A_78 = arith.constant 0 : i32
    %dma_start3A_79 = arith.constant 0 : i32
    %dma_start3A_80 = tpu.memref_slice %arg11[%dma_start3A_76, %dma_start3A_78, %dma_start3A_79] : memref<2x128x128xf32, #tpu.memory_space<vmem>> -> memref<1x128x128xf32, #tpu.memory_space<vmem>>
    %dma_start3A_81 = tpu.memref_squeeze %dma_start3A_80 : memref<1x128x128xf32, #tpu.memory_space<vmem>> -> memref<128x128xf32, #tpu.memory_space<vmem>>
    %dma_start3A_82 = arith.constant 128 : i32
    %dma_start3A_83 = tpu.memref_slice %arg9[%select_n3A_32, %dma_start3A_82] : memref<8x512xi32, #tpu.memory_space<vmem>> -> memref<1x128xi32, #tpu.memory_space<vmem>>
    %dma_start3A_84 = tpu.memref_squeeze %dma_start3A_83 : memref<1x128xi32, #tpu.memory_space<vmem>> -> memref<128xi32, #tpu.memory_space<vmem>>
    %dma_start3A_85 = arith.constant 0 : i32
    %dma_start3A_86 = arith.constant 0 : i32
    %dma_start3A_87 = tpu.memref_slice %arg5[%dma_start3A_85, %dma_start3A_86] : memref<100000x128xf32, #tpu.memory_space<hbm>> -> memref<100000x128xf32, #tpu.memory_space<hbm>>
    %dma_start3A_88 = tpu.memref_slice %arg12[%dma_start3A_77] : memref<2x!tpu.dma_semaphore, #tpu.memory_space<semaphore_mem>> -> memref<1x!tpu.dma_semaphore, #tpu.memory_space<semaphore_mem>>
    %dma_start3A_89 = tpu.memref_squeeze %dma_start3A_88 : memref<1x!tpu.dma_semaphore, #tpu.memory_space<semaphore_mem>> -> memref<!tpu.dma_semaphore, #tpu.memory_space<semaphore_mem>>
    tpu.enqueue_indirect_dma source(%dma_start3A_87 : memref<100000x128xf32, #tpu.memory_space<hbm>>) target(%dma_start3A_81 : memref<128x128xf32, #tpu.memory_space<vmem>>) offsets(%dma_start3A_84 : memref<128xi32, #tpu.memory_space<vmem>>) semaphore(%dma_start3A_89 : memref<!tpu.dma_semaphore, #tpu.memory_space<semaphore_mem>>)
    %dma_wait3A = arith.constant 0 : i32
    %dma_wait3A_90 = arith.constant 0 : i32
    %dma_wait3A_91 = arith.constant 0 : i32
    %dma_wait3A_92 = arith.constant 0 : i32
    %dma_wait3A_93 = tpu.memref_slice %arg10[%dma_wait3A, %dma_wait3A_91, %dma_wait3A_92] : memref<2x128x128xf32, #tpu.memory_space<vmem>> -> memref<1x128x128xf32, #tpu.memory_space<vmem>>
    %dma_wait3A_94 = tpu.memref_squeeze %dma_wait3A_93 : memref<1x128x128xf32, #tpu.memory_space<vmem>> -> memref<128x128xf32, #tpu.memory_space<vmem>>
    %dma_wait3A_95 = arith.constant 0 : i32
    %dma_wait3A_96 = tpu.memref_slice %arg8[%select_n3A_32, %dma_wait3A_95] : memref<8x512xi32, #tpu.memory_space<vmem>> -> memref<1x128xi32, #tpu.memory_space<vmem>>
    %dma_wait3A_97 = tpu.memref_squeeze %dma_wait3A_96 : memref<1x128xi32, #tpu.memory_space<vmem>> -> memref<128xi32, #tpu.memory_space<vmem>>
    %dma_wait3A_98 = arith.constant 0 : i32
    %dma_wait3A_99 = arith.constant 0 : i32
    %dma_wait3A_100 = tpu.memref_slice %arg4[%dma_wait3A_98, %dma_wait3A_99] : memref<1000x128xf32, #tpu.memory_space<hbm>> -> memref<1000x128xf32, #tpu.memory_space<hbm>>
    %dma_wait3A_101 = tpu.memref_slice %arg12[%dma_wait3A_90] : memref<2x!tpu.dma_semaphore, #tpu.memory_space<semaphore_mem>> -> memref<1x!tpu.dma_semaphore, #tpu.memory_space<semaphore_mem>>
    %dma_wait3A_102 = tpu.memref_squeeze %dma_wait3A_101 : memref<1x!tpu.dma_semaphore, #tpu.memory_space<semaphore_mem>> -> memref<!tpu.dma_semaphore, #tpu.memory_space<semaphore_mem>>
    tpu.wait_indirect_dma semaphore(%dma_wait3A_102 : memref<!tpu.dma_semaphore, #tpu.memory_space<semaphore_mem>>) src(%dma_wait3A_100 : memref<1000x128xf32, #tpu.memory_space<hbm>>) dst(%dma_wait3A_94 : memref<128x128xf32, #tpu.memory_space<vmem>>)
    %dma_wait3A_103 = arith.constant 0 : i32
    %dma_wait3A_104 = arith.constant 0 : i32
    %dma_wait3A_105 = arith.constant 0 : i32
    %dma_wait3A_106 = arith.constant 0 : i32
    %dma_wait3A_107 = tpu.memref_slice %arg11[%dma_wait3A_103, %dma_wait3A_105, %dma_wait3A_106] : memref<2x128x128xf32, #tpu.memory_space<vmem>> -> memref<1x128x128xf32, #tpu.memory_space<vmem>>
    %dma_wait3A_108 = tpu.memref_squeeze %dma_wait3A_107 : memref<1x128x128xf32, #tpu.memory_space<vmem>> -> memref<128x128xf32, #tpu.memory_space<vmem>>
    %dma_wait3A_109 = arith.constant 0 : i32
    %dma_wait3A_110 = tpu.memref_slice %arg9[%select_n3A_32, %dma_wait3A_109] : memref<8x512xi32, #tpu.memory_space<vmem>> -> memref<1x128xi32, #tpu.memory_space<vmem>>
    %dma_wait3A_111 = tpu.memref_squeeze %dma_wait3A_110 : memref<1x128xi32, #tpu.memory_space<vmem>> -> memref<128xi32, #tpu.memory_space<vmem>>
    %dma_wait3A_112 = arith.constant 0 : i32
    %dma_wait3A_113 = arith.constant 0 : i32
    %dma_wait3A_114 = tpu.memref_slice %arg5[%dma_wait3A_112, %dma_wait3A_113] : memref<100000x128xf32, #tpu.memory_space<hbm>> -> memref<100000x128xf32, #tpu.memory_space<hbm>>
    %dma_wait3A_115 = tpu.memref_slice %arg12[%dma_wait3A_104] : memref<2x!tpu.dma_semaphore, #tpu.memory_space<semaphore_mem>> -> memref<1x!tpu.dma_semaphore, #tpu.memory_space<semaphore_mem>>
    %dma_wait3A_116 = tpu.memref_squeeze %dma_wait3A_115 : memref<1x!tpu.dma_semaphore, #tpu.memory_space<semaphore_mem>> -> memref<!tpu.dma_semaphore, #tpu.memory_space<semaphore_mem>>
    tpu.wait_indirect_dma semaphore(%dma_wait3A_116 : memref<!tpu.dma_semaphore, #tpu.memory_space<semaphore_mem>>) src(%dma_wait3A_114 : memref<100000x128xf32, #tpu.memory_space<hbm>>) dst(%dma_wait3A_108 : memref<128x128xf32, #tpu.memory_space<vmem>>)
    %scan3A = arith.constant 0 : i32
    %scan3A_117 = arith.constant 0 : i32
    %scan3A_118 = arith.constant 0 : i32
    %scan3A_119 = arith.constant 0 : i32
    %scan3A_120 = arith.constant 128 : i32
    %scan3A_121 = arith.addi %scan3A_119, %scan3A_120 : i32
    %scan3A_122 = arith.constant 1 : i32
    scf.for %scan3A_552 = %scan3A_119 to %scan3A_121 step %scan3A_122  : i32 {
      %get3A = arith.constant 0 : i32
      %get3A_553 = arith.constant 0 : i32
      %get3A_554 = tpu.memref_slice %arg10[%scan3A_117, %get3A, %get3A_553] : memref<2x128x128xf32, #tpu.memory_space<vmem>> -> memref<1x128x128xf32, #tpu.memory_space<vmem>>
      %get3A_555 = tpu.memref_squeeze %get3A_554 : memref<1x128x128xf32, #tpu.memory_space<vmem>> -> memref<128x128xf32, #tpu.memory_space<vmem>>
      %get3A_556 = arith.index_cast %scan3A_552 : i32 to index
      %get3A_557 = arith.constant 64 : index
      %get3A_558 = tpu.vector_load %get3A_555[%get3A_556, %get3A_557] {strides = array<i32>} : memref<128x128xf32, #tpu.memory_space<vmem>>, vector<1x16xf32>,
      %get3A_559 = vector.shape_cast %get3A_558 : vector<1x16xf32> to vector<16xf32>
      %get3A_560 = arith.constant 0 : i32
      %get3A_561 = arith.constant 0 : i32
      %get3A_562 = tpu.memref_slice %arg11[%scan3A_118, %get3A_560, %get3A_561] : memref<2x128x128xf32, #tpu.memory_space<vmem>> -> memref<1x128x128xf32, #tpu.memory_space<vmem>>
      %get3A_563 = tpu.memref_squeeze %get3A_562 : memref<1x128x128xf32, #tpu.memory_space<vmem>> -> memref<128x128xf32, #tpu.memory_space<vmem>>
      %get3A_564 = arith.index_cast %scan3A_552 : i32 to index
      %get3A_565 = arith.constant 0 : index
      %get3A_566 = tpu.vector_load %get3A_563[%get3A_564, %get3A_565] {strides = array<i32>} : memref<128x128xf32, #tpu.memory_space<vmem>>, vector<1x16xf32>,
      %get3A_567 = vector.shape_cast %get3A_566 : vector<1x16xf32> to vector<16xf32>
      %swap3A = arith.constant 0 : i32
      %swap3A_568 = arith.constant 0 : i32
      %swap3A_569 = tpu.memref_slice %arg10[%scan3A_117, %swap3A, %swap3A_568] : memref<2x128x128xf32, #tpu.memory_space<vmem>> -> memref<1x128x128xf32, #tpu.memory_space<vmem>>
      %swap3A_570 = tpu.memref_squeeze %swap3A_569 : memref<1x128x128xf32, #tpu.memory_space<vmem>> -> memref<128x128xf32, #tpu.memory_space<vmem>>
      %swap3A_571 = arith.index_cast %scan3A_552 : i32 to index
      %swap3A_572 = arith.constant 64 : index
      %swap3A_573 = tpu.vector_load %swap3A_570[%swap3A_571, %swap3A_572] {strides = array<i32>} : memref<128x128xf32, #tpu.memory_space<vmem>>, vector<1x16xf32>,
      %swap3A_574 = vector.shape_cast %swap3A_573 : vector<1x16xf32> to vector<16xf32>
      %swap3A_575 = vector.shape_cast %get3A_567 : vector<16xf32> to vector<1x16xf32>
      tpu.vector_store %swap3A_570[%swap3A_571, %swap3A_572], %swap3A_575 {strides = array<i32>} : memref<128x128xf32, #tpu.memory_space<vmem>>, vector<1x16xf32>,
      %swap3A_576 = arith.constant 0 : i32
      %swap3A_577 = arith.constant 0 : i32
      %swap3A_578 = tpu.memref_slice %arg11[%scan3A_118, %swap3A_576, %swap3A_577] : memref<2x128x128xf32, #tpu.memory_space<vmem>> -> memref<1x128x128xf32, #tpu.memory_space<vmem>>
      %swap3A_579 = tpu.memref_squeeze %swap3A_578 : memref<1x128x128xf32, #tpu.memory_space<vmem>> -> memref<128x128xf32, #tpu.memory_space<vmem>>
      %swap3A_580 = arith.index_cast %scan3A_552 : i32 to index
      %swap3A_581 = arith.constant 0 : index
      %swap3A_582 = tpu.vector_load %swap3A_579[%swap3A_580, %swap3A_581] {strides = array<i32>} : memref<128x128xf32, #tpu.memory_space<vmem>>, vector<1x16xf32>,
      %swap3A_583 = vector.shape_cast %swap3A_582 : vector<1x16xf32> to vector<16xf32>
      %swap3A_584 = vector.shape_cast %get3A_559 : vector<16xf32> to vector<1x16xf32>
      tpu.vector_store %swap3A_579[%swap3A_580, %swap3A_581], %swap3A_584 {strides = array<i32>} : memref<128x128xf32, #tpu.memory_space<vmem>>, vector<1x16xf32>,
      %get3A_585 = arith.constant 0 : i32
      %get3A_586 = arith.constant 0 : i32
      %get3A_587 = tpu.memref_slice %arg10[%scan3A_117, %get3A_585, %get3A_586] : memref<2x128x128xf32, #tpu.memory_space<vmem>> -> memref<1x128x128xf32, #tpu.memory_space<vmem>>
      %get3A_588 = tpu.memref_squeeze %get3A_587 : memref<1x128x128xf32, #tpu.memory_space<vmem>> -> memref<128x128xf32, #tpu.memory_space<vmem>>
      %get3A_589 = arith.index_cast %scan3A_552 : i32 to index
      %get3A_590 = arith.constant 80 : index
      %get3A_591 = tpu.vector_load %get3A_588[%get3A_589, %get3A_590] {strides = array<i32>} : memref<128x128xf32, #tpu.memory_space<vmem>>, vector<1x16xf32>,
      %get3A_592 = vector.shape_cast %get3A_591 : vector<1x16xf32> to vector<16xf32>
      %get3A_593 = arith.constant 0 : i32
      %get3A_594 = arith.constant 0 : i32
      %get3A_595 = tpu.memref_slice %arg11[%scan3A_118, %get3A_593, %get3A_594] : memref<2x128x128xf32, #tpu.memory_space<vmem>> -> memref<1x128x128xf32, #tpu.memory_space<vmem>>
      %get3A_596 = tpu.memref_squeeze %get3A_595 : memref<1x128x128xf32, #tpu.memory_space<vmem>> -> memref<128x128xf32, #tpu.memory_space<vmem>>
      %get3A_597 = arith.index_cast %scan3A_552 : i32 to index
      %get3A_598 = arith.constant 16 : index
      %get3A_599 = tpu.vector_load %get3A_596[%get3A_597, %get3A_598] {strides = array<i32>} : memref<128x128xf32, #tpu.memory_space<vmem>>, vector<1x16xf32>,
      %get3A_600 = vector.shape_cast %get3A_599 : vector<1x16xf32> to vector<16xf32>
      %swap3A_601 = arith.constant 0 : i32
      %swap3A_602 = arith.constant 0 : i32
      %swap3A_603 = tpu.memref_slice %arg10[%scan3A_117, %swap3A_601, %swap3A_602] : memref<2x128x128xf32, #tpu.memory_space<vmem>> -> memref<1x128x128xf32, #tpu.memory_space<vmem>>
      %swap3A_604 = tpu.memref_squeeze %swap3A_603 : memref<1x128x128xf32, #tpu.memory_space<vmem>> -> memref<128x128xf32, #tpu.memory_space<vmem>>
      %swap3A_605 = arith.index_cast %scan3A_552 : i32 to index
      %swap3A_606 = arith.constant 80 : index
      %swap3A_607 = tpu.vector_load %swap3A_604[%swap3A_605, %swap3A_606] {strides = array<i32>} : memref<128x128xf32, #tpu.memory_space<vmem>>, vector<1x16xf32>,
      %swap3A_608 = vector.shape_cast %swap3A_607 : vector<1x16xf32> to vector<16xf32>
      %swap3A_609 = vector.shape_cast %get3A_600 : vector<16xf32> to vector<1x16xf32>
      tpu.vector_store %swap3A_604[%swap3A_605, %swap3A_606], %swap3A_609 {strides = array<i32>} : memref<128x128xf32, #tpu.memory_space<vmem>>, vector<1x16xf32>,
      %swap3A_610 = arith.constant 0 : i32
      %swap3A_611 = arith.constant 0 : i32
      %swap3A_612 = tpu.memref_slice %arg11[%scan3A_118, %swap3A_610, %swap3A_611] : memref<2x128x128xf32, #tpu.memory_space<vmem>> -> memref<1x128x128xf32, #tpu.memory_space<vmem>>
      %swap3A_613 = tpu.memref_squeeze %swap3A_612 : memref<1x128x128xf32, #tpu.memory_space<vmem>> -> memref<128x128xf32, #tpu.memory_space<vmem>>
      %swap3A_614 = arith.index_cast %scan3A_552 : i32 to index
      %swap3A_615 = arith.constant 16 : index
      %swap3A_616 = tpu.vector_load %swap3A_613[%swap3A_614, %swap3A_615] {strides = array<i32>} : memref<128x128xf32, #tpu.memory_space<vmem>>, vector<1x16xf32>,
      %swap3A_617 = vector.shape_cast %swap3A_616 : vector<1x16xf32> to vector<16xf32>
      %swap3A_618 = vector.shape_cast %get3A_592 : vector<16xf32> to vector<1x16xf32>
      tpu.vector_store %swap3A_613[%swap3A_614, %swap3A_615], %swap3A_618 {strides = array<i32>} : memref<128x128xf32, #tpu.memory_space<vmem>>, vector<1x16xf32>,
      %get3A_619 = arith.constant 0 : i32
      %get3A_620 = arith.constant 0 : i32
      %get3A_621 = tpu.memref_slice %arg10[%scan3A_117, %get3A_619, %get3A_620] : memref<2x128x128xf32, #tpu.memory_space<vmem>> -> memref<1x128x128xf32, #tpu.memory_space<vmem>>
      %get3A_622 = tpu.memref_squeeze %get3A_621 : memref<1x128x128xf32, #tpu.memory_space<vmem>> -> memref<128x128xf32, #tpu.memory_space<vmem>>
      %get3A_623 = arith.index_cast %scan3A_552 : i32 to index
      %get3A_624 = arith.constant 96 : index
      %get3A_625 = tpu.vector_load %get3A_622[%get3A_623, %get3A_624] {strides = array<i32>} : memref<128x128xf32, #tpu.memory_space<vmem>>, vector<1x16xf32>,
      %get3A_626 = vector.shape_cast %get3A_625 : vector<1x16xf32> to vector<16xf32>
      %get3A_627 = arith.constant 0 : i32
      %get3A_628 = arith.constant 0 : i32
      %get3A_629 = tpu.memref_slice %arg11[%scan3A_118, %get3A_627, %get3A_628] : memref<2x128x128xf32, #tpu.memory_space<vmem>> -> memref<1x128x128xf32, #tpu.memory_space<vmem>>
      %get3A_630 = tpu.memref_squeeze %get3A_629 : memref<1x128x128xf32, #tpu.memory_space<vmem>> -> memref<128x128xf32, #tpu.memory_space<vmem>>
      %get3A_631 = arith.index_cast %scan3A_552 : i32 to index
      %get3A_632 = arith.constant 32 : index
      %get3A_633 = tpu.vector_load %get3A_630[%get3A_631, %get3A_632] {strides = array<i32>} : memref<128x128xf32, #tpu.memory_space<vmem>>, vector<1x16xf32>,
      %get3A_634 = vector.shape_cast %get3A_633 : vector<1x16xf32> to vector<16xf32>
      %swap3A_635 = arith.constant 0 : i32
      %swap3A_636 = arith.constant 0 : i32
      %swap3A_637 = tpu.memref_slice %arg10[%scan3A_117, %swap3A_635, %swap3A_636] : memref<2x128x128xf32, #tpu.memory_space<vmem>> -> memref<1x128x128xf32, #tpu.memory_space<vmem>>
      %swap3A_638 = tpu.memref_squeeze %swap3A_637 : memref<1x128x128xf32, #tpu.memory_space<vmem>> -> memref<128x128xf32, #tpu.memory_space<vmem>>
      %swap3A_639 = arith.index_cast %scan3A_552 : i32 to index
      %swap3A_640 = arith.constant 96 : index
      %swap3A_641 = tpu.vector_load %swap3A_638[%swap3A_639, %swap3A_640] {strides = array<i32>} : memref<128x128xf32, #tpu.memory_space<vmem>>, vector<1x16xf32>,
      %swap3A_642 = vector.shape_cast %swap3A_641 : vector<1x16xf32> to vector<16xf32>
      %swap3A_643 = vector.shape_cast %get3A_634 : vector<16xf32> to vector<1x16xf32>
      tpu.vector_store %swap3A_638[%swap3A_639, %swap3A_640], %swap3A_643 {strides = array<i32>} : memref<128x128xf32, #tpu.memory_space<vmem>>, vector<1x16xf32>,
      %swap3A_644 = arith.constant 0 : i32
      %swap3A_645 = arith.constant 0 : i32
      %swap3A_646 = tpu.memref_slice %arg11[%scan3A_118, %swap3A_644, %swap3A_645] : memref<2x128x128xf32, #tpu.memory_space<vmem>> -> memref<1x128x128xf32, #tpu.memory_space<vmem>>
      %swap3A_647 = tpu.memref_squeeze %swap3A_646 : memref<1x128x128xf32, #tpu.memory_space<vmem>> -> memref<128x128xf32, #tpu.memory_space<vmem>>
      %swap3A_648 = arith.index_cast %scan3A_552 : i32 to index
      %swap3A_649 = arith.constant 32 : index
      %swap3A_650 = tpu.vector_load %swap3A_647[%swap3A_648, %swap3A_649] {strides = array<i32>} : memref<128x128xf32, #tpu.memory_space<vmem>>, vector<1x16xf32>,
      %swap3A_651 = vector.shape_cast %swap3A_650 : vector<1x16xf32> to vector<16xf32>
      %swap3A_652 = vector.shape_cast %get3A_626 : vector<16xf32> to vector<1x16xf32>
      tpu.vector_store %swap3A_647[%swap3A_648, %swap3A_649], %swap3A_652 {strides = array<i32>} : memref<128x128xf32, #tpu.memory_space<vmem>>, vector<1x16xf32>,
      %get3A_653 = arith.constant 0 : i32
      %get3A_654 = arith.constant 0 : i32
      %get3A_655 = tpu.memref_slice %arg10[%scan3A_117, %get3A_653, %get3A_654] : memref<2x128x128xf32, #tpu.memory_space<vmem>> -> memref<1x128x128xf32, #tpu.memory_space<vmem>>
      %get3A_656 = tpu.memref_squeeze %get3A_655 : memref<1x128x128xf32, #tpu.memory_space<vmem>> -> memref<128x128xf32, #tpu.memory_space<vmem>>
      %get3A_657 = arith.index_cast %scan3A_552 : i32 to index
      %get3A_658 = arith.constant 112 : index
      %get3A_659 = tpu.vector_load %get3A_656[%get3A_657, %get3A_658] {strides = array<i32>} : memref<128x128xf32, #tpu.memory_space<vmem>>, vector<1x16xf32>,
      %get3A_660 = vector.shape_cast %get3A_659 : vector<1x16xf32> to vector<16xf32>
      %get3A_661 = arith.constant 0 : i32
      %get3A_662 = arith.constant 0 : i32
      %get3A_663 = tpu.memref_slice %arg11[%scan3A_118, %get3A_661, %get3A_662] : memref<2x128x128xf32, #tpu.memory_space<vmem>> -> memref<1x128x128xf32, #tpu.memory_space<vmem>>
      %get3A_664 = tpu.memref_squeeze %get3A_663 : memref<1x128x128xf32, #tpu.memory_space<vmem>> -> memref<128x128xf32, #tpu.memory_space<vmem>>
      %get3A_665 = arith.index_cast %scan3A_552 : i32 to index
      %get3A_666 = arith.constant 48 : index
      %get3A_667 = tpu.vector_load %get3A_664[%get3A_665, %get3A_666] {strides = array<i32>} : memref<128x128xf32, #tpu.memory_space<vmem>>, vector<1x16xf32>,
      %get3A_668 = vector.shape_cast %get3A_667 : vector<1x16xf32> to vector<16xf32>
      %swap3A_669 = arith.constant 0 : i32
      %swap3A_670 = arith.constant 0 : i32
      %swap3A_671 = tpu.memref_slice %arg10[%scan3A_117, %swap3A_669, %swap3A_670] : memref<2x128x128xf32, #tpu.memory_space<vmem>> -> memref<1x128x128xf32, #tpu.memory_space<vmem>>
      %swap3A_672 = tpu.memref_squeeze %swap3A_671 : memref<1x128x128xf32, #tpu.memory_space<vmem>> -> memref<128x128xf32, #tpu.memory_space<vmem>>
      %swap3A_673 = arith.index_cast %scan3A_552 : i32 to index
      %swap3A_674 = arith.constant 112 : index
      %swap3A_675 = tpu.vector_load %swap3A_672[%swap3A_673, %swap3A_674] {strides = array<i32>} : memref<128x128xf32, #tpu.memory_space<vmem>>, vector<1x16xf32>,
      %swap3A_676 = vector.shape_cast %swap3A_675 : vector<1x16xf32> to vector<16xf32>
      %swap3A_677 = vector.shape_cast %get3A_668 : vector<16xf32> to vector<1x16xf32>
      tpu.vector_store %swap3A_672[%swap3A_673, %swap3A_674], %swap3A_677 {strides = array<i32>} : memref<128x128xf32, #tpu.memory_space<vmem>>, vector<1x16xf32>,
      %swap3A_678 = arith.constant 0 : i32
      %swap3A_679 = arith.constant 0 : i32
      %swap3A_680 = tpu.memref_slice %arg11[%scan3A_118, %swap3A_678, %swap3A_679] : memref<2x128x128xf32, #tpu.memory_space<vmem>> -> memref<1x128x128xf32, #tpu.memory_space<vmem>>
      %swap3A_681 = tpu.memref_squeeze %swap3A_680 : memref<1x128x128xf32, #tpu.memory_space<vmem>> -> memref<128x128xf32, #tpu.memory_space<vmem>>
      %swap3A_682 = arith.index_cast %scan3A_552 : i32 to index
      %swap3A_683 = arith.constant 48 : index
      %swap3A_684 = tpu.vector_load %swap3A_681[%swap3A_682, %swap3A_683] {strides = array<i32>} : memref<128x128xf32, #tpu.memory_space<vmem>>, vector<1x16xf32>,
      %swap3A_685 = vector.shape_cast %swap3A_684 : vector<1x16xf32> to vector<16xf32>
      %swap3A_686 = vector.shape_cast %get3A_660 : vector<16xf32> to vector<1x16xf32>
      tpu.vector_store %swap3A_681[%swap3A_682, %swap3A_683], %swap3A_686 {strides = array<i32>} : memref<128x128xf32, #tpu.memory_space<vmem>>, vector<1x16xf32>,
    }
    %scan3A_123 = arith.constant 128 : i32
    %add3A_124 = arith.constant 0 : i32
    %add3A_125 = arith.addi %mul3A_34, %add3A_124 : i32
    %dma_start3A_126 = arith.constant 0 : i32
    %dma_start3A_127 = arith.constant 0 : i32
    %dma_start3A_128 = arith.constant 0 : i32
    %dma_start3A_129 = arith.constant 0 : i32
    %dma_start3A_130 = tpu.memref_slice %arg10[%dma_start3A_126, %dma_start3A_128, %dma_start3A_129] : memref<2x128x128xf32, #tpu.memory_space<vmem>> -> memref<1x128x128xf32, #tpu.memory_space<vmem>>
    %dma_start3A_131 = tpu.memref_squeeze %dma_start3A_130 : memref<1x128x128xf32, #tpu.memory_space<vmem>> -> memref<128x128xf32, #tpu.memory_space<vmem>>
    %dma_start3A_132 = arith.constant 0 : i32
    %dma_start3A_133 = tpu.memref_slice %arg6[%add3A_125, %dma_start3A_132] : memref<16384x128xf32, #tpu.memory_space<hbm>> -> memref<128x128xf32, #tpu.memory_space<hbm>>
    %dma_start3A_134 = tpu.memref_slice %arg13[%dma_start3A_127] : memref<2x!tpu.dma_semaphore, #tpu.memory_space<semaphore_mem>> -> memref<1x!tpu.dma_semaphore, #tpu.memory_space<semaphore_mem>>
    %dma_start3A_135 = tpu.memref_squeeze %dma_start3A_134 : memref<1x!tpu.dma_semaphore, #tpu.memory_space<semaphore_mem>> -> memref<!tpu.dma_semaphore, #tpu.memory_space<semaphore_mem>>
    %dma_start3A_136 = arith.constant 0 : i32
    %dma_start3A_137 = tpu.memref_slice %arg6[%add3A_125, %dma_start3A_136] : memref<16384x128xf32, #tpu.memory_space<hbm>> -> memref<128x128xf32, #tpu.memory_space<hbm>>
    %dma_start3A_138 = arith.constant 0 : i32
    %dma_start3A_139 = arith.constant 0 : i32
    %dma_start3A_140 = tpu.memref_slice %arg10[%dma_start3A_126, %dma_start3A_138, %dma_start3A_139] : memref<2x128x128xf32, #tpu.memory_space<vmem>> -> memref<1x128x128xf32, #tpu.memory_space<vmem>>
    %dma_start3A_141 = tpu.memref_squeeze %dma_start3A_140 : memref<1x128x128xf32, #tpu.memory_space<vmem>> -> memref<128x128xf32, #tpu.memory_space<vmem>>
    tpu.enqueue_dma source(%dma_start3A_141 : memref<128x128xf32, #tpu.memory_space<vmem>>) target(%dma_start3A_137 : memref<128x128xf32, #tpu.memory_space<hbm>>) target_semaphore(%dma_start3A_135 : memref<!tpu.dma_semaphore, #tpu.memory_space<semaphore_mem>>)
    %dma_start3A_142 = arith.constant 0 : i32
    %dma_start3A_143 = arith.constant 0 : i32
    %dma_start3A_144 = arith.constant 0 : i32
    %dma_start3A_145 = arith.constant 0 : i32
    %dma_start3A_146 = tpu.memref_slice %arg11[%dma_start3A_142, %dma_start3A_144, %dma_start3A_145] : memref<2x128x128xf32, #tpu.memory_space<vmem>> -> memref<1x128x128xf32, #tpu.memory_space<vmem>>
    %dma_start3A_147 = tpu.memref_squeeze %dma_start3A_146 : memref<1x128x128xf32, #tpu.memory_space<vmem>> -> memref<128x128xf32, #tpu.memory_space<vmem>>
    %dma_start3A_148 = arith.constant 0 : i32
    %dma_start3A_149 = tpu.memref_slice %arg7[%add3A_125, %dma_start3A_148] : memref<16384x128xf32, #tpu.memory_space<hbm>> -> memref<128x128xf32, #tpu.memory_space<hbm>>
    %dma_start3A_150 = tpu.memref_slice %arg13[%dma_start3A_143] : memref<2x!tpu.dma_semaphore, #tpu.memory_space<semaphore_mem>> -> memref<1x!tpu.dma_semaphore, #tpu.memory_space<semaphore_mem>>
    %dma_start3A_151 = tpu.memref_squeeze %dma_start3A_150 : memref<1x!tpu.dma_semaphore, #tpu.memory_space<semaphore_mem>> -> memref<!tpu.dma_semaphore, #tpu.memory_space<semaphore_mem>>
    %dma_start3A_152 = arith.constant 0 : i32
    %dma_start3A_153 = tpu.memref_slice %arg7[%add3A_125, %dma_start3A_152] : memref<16384x128xf32, #tpu.memory_space<hbm>> -> memref<128x128xf32, #tpu.memory_space<hbm>>
    %dma_start3A_154 = arith.constant 0 : i32
    %dma_start3A_155 = arith.constant 0 : i32
    %dma_start3A_156 = tpu.memref_slice %arg11[%dma_start3A_142, %dma_start3A_154, %dma_start3A_155] : memref<2x128x128xf32, #tpu.memory_space<vmem>> -> memref<1x128x128xf32, #tpu.memory_space<vmem>>
    %dma_start3A_157 = tpu.memref_squeeze %dma_start3A_156 : memref<1x128x128xf32, #tpu.memory_space<vmem>> -> memref<128x128xf32, #tpu.memory_space<vmem>>
    tpu.enqueue_dma source(%dma_start3A_157 : memref<128x128xf32, #tpu.memory_space<vmem>>) target(%dma_start3A_153 : memref<128x128xf32, #tpu.memory_space<hbm>>) target_semaphore(%dma_start3A_151 : memref<!tpu.dma_semaphore, #tpu.memory_space<semaphore_mem>>)
    %dma_wait3A_158 = arith.constant 0 : i32
    %dma_wait3A_159 = arith.constant 0 : i32
    %dma_wait3A_160 = arith.constant 0 : i32
    %dma_wait3A_161 = arith.constant 0 : i32
    %dma_wait3A_162 = tpu.memref_slice %arg10[%dma_wait3A_158, %dma_wait3A_160, %dma_wait3A_161] : memref<2x128x128xf32, #tpu.memory_space<vmem>> -> memref<1x128x128xf32, #tpu.memory_space<vmem>>
    %dma_wait3A_163 = tpu.memref_squeeze %dma_wait3A_162 : memref<1x128x128xf32, #tpu.memory_space<vmem>> -> memref<128x128xf32, #tpu.memory_space<vmem>>
    %dma_wait3A_164 = arith.constant 0 : i32
    %dma_wait3A_165 = tpu.memref_slice %arg6[%add3A_125, %dma_wait3A_164] : memref<16384x128xf32, #tpu.memory_space<hbm>> -> memref<128x128xf32, #tpu.memory_space<hbm>>
    %dma_wait3A_166 = tpu.memref_slice %arg13[%dma_wait3A_159] : memref<2x!tpu.dma_semaphore, #tpu.memory_space<semaphore_mem>> -> memref<1x!tpu.dma_semaphore, #tpu.memory_space<semaphore_mem>>
    %dma_wait3A_167 = tpu.memref_squeeze %dma_wait3A_166 : memref<1x!tpu.dma_semaphore, #tpu.memory_space<semaphore_mem>> -> memref<!tpu.dma_semaphore, #tpu.memory_space<semaphore_mem>>
    %dma_wait3A_168 = arith.constant 0 : i32
    %dma_wait3A_169 = tpu.memref_slice %arg6[%add3A_125, %dma_wait3A_168] : memref<16384x128xf32, #tpu.memory_space<hbm>> -> memref<128x128xf32, #tpu.memory_space<hbm>>
    %dma_wait3A_170 = arith.constant 0 : i32
    %dma_wait3A_171 = arith.constant 0 : i32
    %dma_wait3A_172 = tpu.memref_slice %arg10[%dma_wait3A_158, %dma_wait3A_170, %dma_wait3A_171] : memref<2x128x128xf32, #tpu.memory_space<vmem>> -> memref<1x128x128xf32, #tpu.memory_space<vmem>>
    %dma_wait3A_173 = tpu.memref_squeeze %dma_wait3A_172 : memref<1x128x128xf32, #tpu.memory_space<vmem>> -> memref<128x128xf32, #tpu.memory_space<vmem>>
    tpu.wait_dma2 semaphore(%dma_wait3A_167 : memref<!tpu.dma_semaphore, #tpu.memory_space<semaphore_mem>>) src(%dma_wait3A_173 : memref<128x128xf32, #tpu.memory_space<vmem>>) dst(%dma_wait3A_169 : memref<128x128xf32, #tpu.memory_space<hbm>>)
    %dma_wait3A_174 = arith.constant 0 : i32
    %dma_wait3A_175 = arith.constant 0 : i32
    %dma_wait3A_176 = arith.constant 0 : i32
    %dma_wait3A_177 = arith.constant 0 : i32
    %dma_wait3A_178 = tpu.memref_slice %arg11[%dma_wait3A_174, %dma_wait3A_176, %dma_wait3A_177] : memref<2x128x128xf32, #tpu.memory_space<vmem>> -> memref<1x128x128xf32, #tpu.memory_space<vmem>>
    %dma_wait3A_179 = tpu.memref_squeeze %dma_wait3A_178 : memref<1x128x128xf32, #tpu.memory_space<vmem>> -> memref<128x128xf32, #tpu.memory_space<vmem>>
    %dma_wait3A_180 = arith.constant 0 : i32
    %dma_wait3A_181 = tpu.memref_slice %arg7[%add3A_125, %dma_wait3A_180] : memref<16384x128xf32, #tpu.memory_space<hbm>> -> memref<128x128xf32, #tpu.memory_space<hbm>>
    %dma_wait3A_182 = tpu.memref_slice %arg13[%dma_wait3A_175] : memref<2x!tpu.dma_semaphore, #tpu.memory_space<semaphore_mem>> -> memref<1x!tpu.dma_semaphore, #tpu.memory_space<semaphore_mem>>
    %dma_wait3A_183 = tpu.memref_squeeze %dma_wait3A_182 : memref<1x!tpu.dma_semaphore, #tpu.memory_space<semaphore_mem>> -> memref<!tpu.dma_semaphore, #tpu.memory_space<semaphore_mem>>
    %dma_wait3A_184 = arith.constant 0 : i32
    %dma_wait3A_185 = tpu.memref_slice %arg7[%add3A_125, %dma_wait3A_184] : memref<16384x128xf32, #tpu.memory_space<hbm>> -> memref<128x128xf32, #tpu.memory_space<hbm>>
    %dma_wait3A_186 = arith.constant 0 : i32
    %dma_wait3A_187 = arith.constant 0 : i32
    %dma_wait3A_188 = tpu.memref_slice %arg11[%dma_wait3A_174, %dma_wait3A_186, %dma_wait3A_187] : memref<2x128x128xf32, #tpu.memory_space<vmem>> -> memref<1x128x128xf32, #tpu.memory_space<vmem>>
    %dma_wait3A_189 = tpu.memref_squeeze %dma_wait3A_188 : memref<1x128x128xf32, #tpu.memory_space<vmem>> -> memref<128x128xf32, #tpu.memory_space<vmem>>
    tpu.wait_dma2 semaphore(%dma_wait3A_183 : memref<!tpu.dma_semaphore, #tpu.memory_space<semaphore_mem>>) src(%dma_wait3A_189 : memref<128x128xf32, #tpu.memory_space<vmem>>) dst(%dma_wait3A_185 : memref<128x128xf32, #tpu.memory_space<hbm>>)
    %dma_start3A_190 = arith.constant 0 : i32
    %dma_start3A_191 = arith.constant 0 : i32
    %dma_start3A_192 = arith.constant 0 : i32
    %dma_start3A_193 = arith.constant 0 : i32
    %dma_start3A_194 = tpu.memref_slice %arg10[%dma_start3A_190, %dma_start3A_192, %dma_start3A_193] : memref<2x128x128xf32, #tpu.memory_space<vmem>> -> memref<1x128x128xf32, #tpu.memory_space<vmem>>
    %dma_start3A_195 = tpu.memref_squeeze %dma_start3A_194 : memref<1x128x128xf32, #tpu.memory_space<vmem>> -> memref<128x128xf32, #tpu.memory_space<vmem>>
    %dma_start3A_196 = arith.constant 256 : i32
    %dma_start3A_197 = tpu.memref_slice %arg8[%select_n3A_32, %dma_start3A_196] : memref<8x512xi32, #tpu.memory_space<vmem>> -> memref<1x128xi32, #tpu.memory_space<vmem>>
    %dma_start3A_198 = tpu.memref_squeeze %dma_start3A_197 : memref<1x128xi32, #tpu.memory_space<vmem>> -> memref<128xi32, #tpu.memory_space<vmem>>
    %dma_start3A_199 = arith.constant 0 : i32
    %dma_start3A_200 = arith.constant 0 : i32
    %dma_start3A_201 = tpu.memref_slice %arg4[%dma_start3A_199, %dma_start3A_200] : memref<1000x128xf32, #tpu.memory_space<hbm>> -> memref<1000x128xf32, #tpu.memory_space<hbm>>
    %dma_start3A_202 = tpu.memref_slice %arg12[%dma_start3A_191] : memref<2x!tpu.dma_semaphore, #tpu.memory_space<semaphore_mem>> -> memref<1x!tpu.dma_semaphore, #tpu.memory_space<semaphore_mem>>
    %dma_start3A_203 = tpu.memref_squeeze %dma_start3A_202 : memref<1x!tpu.dma_semaphore, #tpu.memory_space<semaphore_mem>> -> memref<!tpu.dma_semaphore, #tpu.memory_space<semaphore_mem>>
    tpu.enqueue_indirect_dma source(%dma_start3A_201 : memref<1000x128xf32, #tpu.memory_space<hbm>>) target(%dma_start3A_195 : memref<128x128xf32, #tpu.memory_space<vmem>>) offsets(%dma_start3A_198 : memref<128xi32, #tpu.memory_space<vmem>>) semaphore(%dma_start3A_203 : memref<!tpu.dma_semaphore, #tpu.memory_space<semaphore_mem>>)
    %dma_start3A_204 = arith.constant 0 : i32
    %dma_start3A_205 = arith.constant 0 : i32
    %dma_start3A_206 = arith.constant 0 : i32
    %dma_start3A_207 = arith.constant 0 : i32
    %dma_start3A_208 = tpu.memref_slice %arg11[%dma_start3A_204, %dma_start3A_206, %dma_start3A_207] : memref<2x128x128xf32, #tpu.memory_space<vmem>> -> memref<1x128x128xf32, #tpu.memory_space<vmem>>
    %dma_start3A_209 = tpu.memref_squeeze %dma_start3A_208 : memref<1x128x128xf32, #tpu.memory_space<vmem>> -> memref<128x128xf32, #tpu.memory_space<vmem>>
    %dma_start3A_210 = arith.constant 256 : i32
    %dma_start3A_211 = tpu.memref_slice %arg9[%select_n3A_32, %dma_start3A_210] : memref<8x512xi32, #tpu.memory_space<vmem>> -> memref<1x128xi32, #tpu.memory_space<vmem>>
    %dma_start3A_212 = tpu.memref_squeeze %dma_start3A_211 : memref<1x128xi32, #tpu.memory_space<vmem>> -> memref<128xi32, #tpu.memory_space<vmem>>
    %dma_start3A_213 = arith.constant 0 : i32
    %dma_start3A_214 = arith.constant 0 : i32
    %dma_start3A_215 = tpu.memref_slice %arg5[%dma_start3A_213, %dma_start3A_214] : memref<100000x128xf32, #tpu.memory_space<hbm>> -> memref<100000x128xf32, #tpu.memory_space<hbm>>
    %dma_start3A_216 = tpu.memref_slice %arg12[%dma_start3A_205] : memref<2x!tpu.dma_semaphore, #tpu.memory_space<semaphore_mem>> -> memref<1x!tpu.dma_semaphore, #tpu.memory_space<semaphore_mem>>
    %dma_start3A_217 = tpu.memref_squeeze %dma_start3A_216 : memref<1x!tpu.dma_semaphore, #tpu.memory_space<semaphore_mem>> -> memref<!tpu.dma_semaphore, #tpu.memory_space<semaphore_mem>>
    tpu.enqueue_indirect_dma source(%dma_start3A_215 : memref<100000x128xf32, #tpu.memory_space<hbm>>) target(%dma_start3A_209 : memref<128x128xf32, #tpu.memory_space<vmem>>) offsets(%dma_start3A_212 : memref<128xi32, #tpu.memory_space<vmem>>) semaphore(%dma_start3A_217 : memref<!tpu.dma_semaphore, #tpu.memory_space<semaphore_mem>>)
    %dma_wait3A_218 = arith.constant 1 : i32
    %dma_wait3A_219 = arith.constant 1 : i32
    %dma_wait3A_220 = arith.constant 0 : i32
    %dma_wait3A_221 = arith.constant 0 : i32
    %dma_wait3A_222 = tpu.memref_slice %arg10[%dma_wait3A_218, %dma_wait3A_220, %dma_wait3A_221] : memref<2x128x128xf32, #tpu.memory_space<vmem>> -> memref<1x128x128xf32, #tpu.memory_space<vmem>>
    %dma_wait3A_223 = tpu.memref_squeeze %dma_wait3A_222 : memref<1x128x128xf32, #tpu.memory_space<vmem>> -> memref<128x128xf32, #tpu.memory_space<vmem>>
    %dma_wait3A_224 = arith.constant 128 : i32
    %dma_wait3A_225 = tpu.memref_slice %arg8[%select_n3A_32, %dma_wait3A_224] : memref<8x512xi32, #tpu.memory_space<vmem>> -> memref<1x128xi32, #tpu.memory_space<vmem>>
    %dma_wait3A_226 = tpu.memref_squeeze %dma_wait3A_225 : memref<1x128xi32, #tpu.memory_space<vmem>> -> memref<128xi32, #tpu.memory_space<vmem>>
    %dma_wait3A_227 = arith.constant 0 : i32
    %dma_wait3A_228 = arith.constant 0 : i32
    %dma_wait3A_229 = tpu.memref_slice %arg4[%dma_wait3A_227, %dma_wait3A_228] : memref<1000x128xf32, #tpu.memory_space<hbm>> -> memref<1000x128xf32, #tpu.memory_space<hbm>>
    %dma_wait3A_230 = tpu.memref_slice %arg12[%dma_wait3A_219] : memref<2x!tpu.dma_semaphore, #tpu.memory_space<semaphore_mem>> -> memref<1x!tpu.dma_semaphore, #tpu.memory_space<semaphore_mem>>
    %dma_wait3A_231 = tpu.memref_squeeze %dma_wait3A_230 : memref<1x!tpu.dma_semaphore, #tpu.memory_space<semaphore_mem>> -> memref<!tpu.dma_semaphore, #tpu.memory_space<semaphore_mem>>
    tpu.wait_indirect_dma semaphore(%dma_wait3A_231 : memref<!tpu.dma_semaphore, #tpu.memory_space<semaphore_mem>>) src(%dma_wait3A_229 : memref<1000x128xf32, #tpu.memory_space<hbm>>) dst(%dma_wait3A_223 : memref<128x128xf32, #tpu.memory_space<vmem>>)
    %dma_wait3A_232 = arith.constant 1 : i32
    %dma_wait3A_233 = arith.constant 1 : i32
    %dma_wait3A_234 = arith.constant 0 : i32
    %dma_wait3A_235 = arith.constant 0 : i32
    %dma_wait3A_236 = tpu.memref_slice %arg11[%dma_wait3A_232, %dma_wait3A_234, %dma_wait3A_235] : memref<2x128x128xf32, #tpu.memory_space<vmem>> -> memref<1x128x128xf32, #tpu.memory_space<vmem>>
    %dma_wait3A_237 = tpu.memref_squeeze %dma_wait3A_236 : memref<1x128x128xf32, #tpu.memory_space<vmem>> -> memref<128x128xf32, #tpu.memory_space<vmem>>
    %dma_wait3A_238 = arith.constant 128 : i32
    %dma_wait3A_239 = tpu.memref_slice %arg9[%select_n3A_32, %dma_wait3A_238] : memref<8x512xi32, #tpu.memory_space<vmem>> -> memref<1x128xi32, #tpu.memory_space<vmem>>
    %dma_wait3A_240 = tpu.memref_squeeze %dma_wait3A_239 : memref<1x128xi32, #tpu.memory_space<vmem>> -> memref<128xi32, #tpu.memory_space<vmem>>
    %dma_wait3A_241 = arith.constant 0 : i32
    %dma_wait3A_242 = arith.constant 0 : i32
    %dma_wait3A_243 = tpu.memref_slice %arg5[%dma_wait3A_241, %dma_wait3A_242] : memref<100000x128xf32, #tpu.memory_space<hbm>> -> memref<100000x128xf32, #tpu.memory_space<hbm>>
    %dma_wait3A_244 = tpu.memref_slice %arg12[%dma_wait3A_233] : memref<2x!tpu.dma_semaphore, #tpu.memory_space<semaphore_mem>> -> memref<1x!tpu.dma_semaphore, #tpu.memory_space<semaphore_mem>>
    %dma_wait3A_245 = tpu.memref_squeeze %dma_wait3A_244 : memref<1x!tpu.dma_semaphore, #tpu.memory_space<semaphore_mem>> -> memref<!tpu.dma_semaphore, #tpu.memory_space<semaphore_mem>>
    tpu.wait_indirect_dma semaphore(%dma_wait3A_245 : memref<!tpu.dma_semaphore, #tpu.memory_space<semaphore_mem>>) src(%dma_wait3A_243 : memref<100000x128xf32, #tpu.memory_space<hbm>>) dst(%dma_wait3A_237 : memref<128x128xf32, #tpu.memory_space<vmem>>)
    %scan3A_246 = arith.constant 0 : i32
    %scan3A_247 = arith.constant 1 : i32
    %scan3A_248 = arith.constant 1 : i32
    %scan3A_249 = arith.constant 0 : i32
    %scan3A_250 = arith.constant 128 : i32
    %scan3A_251 = arith.addi %scan3A_249, %scan3A_250 : i32
    %scan3A_252 = arith.constant 1 : i32
    scf.for %scan3A_552 = %scan3A_249 to %scan3A_251 step %scan3A_252  : i32 {
      %get3A = arith.constant 0 : i32
      %get3A_553 = arith.constant 0 : i32
      %get3A_554 = tpu.memref_slice %arg10[%scan3A_247, %get3A, %get3A_553] : memref<2x128x128xf32, #tpu.memory_space<vmem>> -> memref<1x128x128xf32, #tpu.memory_space<vmem>>
      %get3A_555 = tpu.memref_squeeze %get3A_554 : memref<1x128x128xf32, #tpu.memory_space<vmem>> -> memref<128x128xf32, #tpu.memory_space<vmem>>
      %get3A_556 = arith.index_cast %scan3A_552 : i32 to index
      %get3A_557 = arith.constant 64 : index
      %get3A_558 = tpu.vector_load %get3A_555[%get3A_556, %get3A_557] {strides = array<i32>} : memref<128x128xf32, #tpu.memory_space<vmem>>, vector<1x16xf32>,
      %get3A_559 = vector.shape_cast %get3A_558 : vector<1x16xf32> to vector<16xf32>
      %get3A_560 = arith.constant 0 : i32
      %get3A_561 = arith.constant 0 : i32
      %get3A_562 = tpu.memref_slice %arg11[%scan3A_248, %get3A_560, %get3A_561] : memref<2x128x128xf32, #tpu.memory_space<vmem>> -> memref<1x128x128xf32, #tpu.memory_space<vmem>>
      %get3A_563 = tpu.memref_squeeze %get3A_562 : memref<1x128x128xf32, #tpu.memory_space<vmem>> -> memref<128x128xf32, #tpu.memory_space<vmem>>
      %get3A_564 = arith.index_cast %scan3A_552 : i32 to index
      %get3A_565 = arith.constant 0 : index
      %get3A_566 = tpu.vector_load %get3A_563[%get3A_564, %get3A_565] {strides = array<i32>} : memref<128x128xf32, #tpu.memory_space<vmem>>, vector<1x16xf32>,
      %get3A_567 = vector.shape_cast %get3A_566 : vector<1x16xf32> to vector<16xf32>
      %swap3A = arith.constant 0 : i32
      %swap3A_568 = arith.constant 0 : i32
      %swap3A_569 = tpu.memref_slice %arg10[%scan3A_247, %swap3A, %swap3A_568] : memref<2x128x128xf32, #tpu.memory_space<vmem>> -> memref<1x128x128xf32, #tpu.memory_space<vmem>>
      %swap3A_570 = tpu.memref_squeeze %swap3A_569 : memref<1x128x128xf32, #tpu.memory_space<vmem>> -> memref<128x128xf32, #tpu.memory_space<vmem>>
      %swap3A_571 = arith.index_cast %scan3A_552 : i32 to index
      %swap3A_572 = arith.constant 64 : index
      %swap3A_573 = tpu.vector_load %swap3A_570[%swap3A_571, %swap3A_572] {strides = array<i32>} : memref<128x128xf32, #tpu.memory_space<vmem>>, vector<1x16xf32>,
      %swap3A_574 = vector.shape_cast %swap3A_573 : vector<1x16xf32> to vector<16xf32>
      %swap3A_575 = vector.shape_cast %get3A_567 : vector<16xf32> to vector<1x16xf32>
      tpu.vector_store %swap3A_570[%swap3A_571, %swap3A_572], %swap3A_575 {strides = array<i32>} : memref<128x128xf32, #tpu.memory_space<vmem>>, vector<1x16xf32>,
      %swap3A_576 = arith.constant 0 : i32
      %swap3A_577 = arith.constant 0 : i32
      %swap3A_578 = tpu.memref_slice %arg11[%scan3A_248, %swap3A_576, %swap3A_577] : memref<2x128x128xf32, #tpu.memory_space<vmem>> -> memref<1x128x128xf32, #tpu.memory_space<vmem>>
      %swap3A_579 = tpu.memref_squeeze %swap3A_578 : memref<1x128x128xf32, #tpu.memory_space<vmem>> -> memref<128x128xf32, #tpu.memory_space<vmem>>
      %swap3A_580 = arith.index_cast %scan3A_552 : i32 to index
      %swap3A_581 = arith.constant 0 : index
      %swap3A_582 = tpu.vector_load %swap3A_579[%swap3A_580, %swap3A_581] {strides = array<i32>} : memref<128x128xf32, #tpu.memory_space<vmem>>, vector<1x16xf32>,
      %swap3A_583 = vector.shape_cast %swap3A_582 : vector<1x16xf32> to vector<16xf32>
      %swap3A_584 = vector.shape_cast %get3A_559 : vector<16xf32> to vector<1x16xf32>
      tpu.vector_store %swap3A_579[%swap3A_580, %swap3A_581], %swap3A_584 {strides = array<i32>} : memref<128x128xf32, #tpu.memory_space<vmem>>, vector<1x16xf32>,
      %get3A_585 = arith.constant 0 : i32
      %get3A_586 = arith.constant 0 : i32
      %get3A_587 = tpu.memref_slice %arg10[%scan3A_247, %get3A_585, %get3A_586] : memref<2x128x128xf32, #tpu.memory_space<vmem>> -> memref<1x128x128xf32, #tpu.memory_space<vmem>>
      %get3A_588 = tpu.memref_squeeze %get3A_587 : memref<1x128x128xf32, #tpu.memory_space<vmem>> -> memref<128x128xf32, #tpu.memory_space<vmem>>
      %get3A_589 = arith.index_cast %scan3A_552 : i32 to index
      %get3A_590 = arith.constant 80 : index
      %get3A_591 = tpu.vector_load %get3A_588[%get3A_589, %get3A_590] {strides = array<i32>} : memref<128x128xf32, #tpu.memory_space<vmem>>, vector<1x16xf32>,
      %get3A_592 = vector.shape_cast %get3A_591 : vector<1x16xf32> to vector<16xf32>
      %get3A_593 = arith.constant 0 : i32
      %get3A_594 = arith.constant 0 : i32
      %get3A_595 = tpu.memref_slice %arg11[%scan3A_248, %get3A_593, %get3A_594] : memref<2x128x128xf32, #tpu.memory_space<vmem>> -> memref<1x128x128xf32, #tpu.memory_space<vmem>>
      %get3A_596 = tpu.memref_squeeze %get3A_595 : memref<1x128x128xf32, #tpu.memory_space<vmem>> -> memref<128x128xf32, #tpu.memory_space<vmem>>
      %get3A_597 = arith.index_cast %scan3A_552 : i32 to index
      %get3A_598 = arith.constant 16 : index
      %get3A_599 = tpu.vector_load %get3A_596[%get3A_597, %get3A_598] {strides = array<i32>} : memref<128x128xf32, #tpu.memory_space<vmem>>, vector<1x16xf32>,
      %get3A_600 = vector.shape_cast %get3A_599 : vector<1x16xf32> to vector<16xf32>
      %swap3A_601 = arith.constant 0 : i32
      %swap3A_602 = arith.constant 0 : i32
      %swap3A_603 = tpu.memref_slice %arg10[%scan3A_247, %swap3A_601, %swap3A_602] : memref<2x128x128xf32, #tpu.memory_space<vmem>> -> memref<1x128x128xf32, #tpu.memory_space<vmem>>
      %swap3A_604 = tpu.memref_squeeze %swap3A_603 : memref<1x128x128xf32, #tpu.memory_space<vmem>> -> memref<128x128xf32, #tpu.memory_space<vmem>>
      %swap3A_605 = arith.index_cast %scan3A_552 : i32 to index
      %swap3A_606 = arith.constant 80 : index
      %swap3A_607 = tpu.vector_load %swap3A_604[%swap3A_605, %swap3A_606] {strides = array<i32>} : memref<128x128xf32, #tpu.memory_space<vmem>>, vector<1x16xf32>,
      %swap3A_608 = vector.shape_cast %swap3A_607 : vector<1x16xf32> to vector<16xf32>
      %swap3A_609 = vector.shape_cast %get3A_600 : vector<16xf32> to vector<1x16xf32>
      tpu.vector_store %swap3A_604[%swap3A_605, %swap3A_606], %swap3A_609 {strides = array<i32>} : memref<128x128xf32, #tpu.memory_space<vmem>>, vector<1x16xf32>,
      %swap3A_610 = arith.constant 0 : i32
      %swap3A_611 = arith.constant 0 : i32
      %swap3A_612 = tpu.memref_slice %arg11[%scan3A_248, %swap3A_610, %swap3A_611] : memref<2x128x128xf32, #tpu.memory_space<vmem>> -> memref<1x128x128xf32, #tpu.memory_space<vmem>>
      %swap3A_613 = tpu.memref_squeeze %swap3A_612 : memref<1x128x128xf32, #tpu.memory_space<vmem>> -> memref<128x128xf32, #tpu.memory_space<vmem>>
      %swap3A_614 = arith.index_cast %scan3A_552 : i32 to index
      %swap3A_615 = arith.constant 16 : index
      %swap3A_616 = tpu.vector_load %swap3A_613[%swap3A_614, %swap3A_615] {strides = array<i32>} : memref<128x128xf32, #tpu.memory_space<vmem>>, vector<1x16xf32>,
      %swap3A_617 = vector.shape_cast %swap3A_616 : vector<1x16xf32> to vector<16xf32>
      %swap3A_618 = vector.shape_cast %get3A_592 : vector<16xf32> to vector<1x16xf32>
      tpu.vector_store %swap3A_613[%swap3A_614, %swap3A_615], %swap3A_618 {strides = array<i32>} : memref<128x128xf32, #tpu.memory_space<vmem>>, vector<1x16xf32>,
      %get3A_619 = arith.constant 0 : i32
      %get3A_620 = arith.constant 0 : i32
      %get3A_621 = tpu.memref_slice %arg10[%scan3A_247, %get3A_619, %get3A_620] : memref<2x128x128xf32, #tpu.memory_space<vmem>> -> memref<1x128x128xf32, #tpu.memory_space<vmem>>
      %get3A_622 = tpu.memref_squeeze %get3A_621 : memref<1x128x128xf32, #tpu.memory_space<vmem>> -> memref<128x128xf32, #tpu.memory_space<vmem>>
      %get3A_623 = arith.index_cast %scan3A_552 : i32 to index
      %get3A_624 = arith.constant 96 : index
      %get3A_625 = tpu.vector_load %get3A_622[%get3A_623, %get3A_624] {strides = array<i32>} : memref<128x128xf32, #tpu.memory_space<vmem>>, vector<1x16xf32>,
      %get3A_626 = vector.shape_cast %get3A_625 : vector<1x16xf32> to vector<16xf32>
      %get3A_627 = arith.constant 0 : i32
      %get3A_628 = arith.constant 0 : i32
      %get3A_629 = tpu.memref_slice %arg11[%scan3A_248, %get3A_627, %get3A_628] : memref<2x128x128xf32, #tpu.memory_space<vmem>> -> memref<1x128x128xf32, #tpu.memory_space<vmem>>
      %get3A_630 = tpu.memref_squeeze %get3A_629 : memref<1x128x128xf32, #tpu.memory_space<vmem>> -> memref<128x128xf32, #tpu.memory_space<vmem>>
      %get3A_631 = arith.index_cast %scan3A_552 : i32 to index
      %get3A_632 = arith.constant 32 : index
      %get3A_633 = tpu.vector_load %get3A_630[%get3A_631, %get3A_632] {strides = array<i32>} : memref<128x128xf32, #tpu.memory_space<vmem>>, vector<1x16xf32>,
      %get3A_634 = vector.shape_cast %get3A_633 : vector<1x16xf32> to vector<16xf32>
      %swap3A_635 = arith.constant 0 : i32
      %swap3A_636 = arith.constant 0 : i32
      %swap3A_637 = tpu.memref_slice %arg10[%scan3A_247, %swap3A_635, %swap3A_636] : memref<2x128x128xf32, #tpu.memory_space<vmem>> -> memref<1x128x128xf32, #tpu.memory_space<vmem>>
      %swap3A_638 = tpu.memref_squeeze %swap3A_637 : memref<1x128x128xf32, #tpu.memory_space<vmem>> -> memref<128x128xf32, #tpu.memory_space<vmem>>
      %swap3A_639 = arith.index_cast %scan3A_552 : i32 to index
      %swap3A_640 = arith.constant 96 : index
      %swap3A_641 = tpu.vector_load %swap3A_638[%swap3A_639, %swap3A_640] {strides = array<i32>} : memref<128x128xf32, #tpu.memory_space<vmem>>, vector<1x16xf32>,
      %swap3A_642 = vector.shape_cast %swap3A_641 : vector<1x16xf32> to vector<16xf32>
      %swap3A_643 = vector.shape_cast %get3A_634 : vector<16xf32> to vector<1x16xf32>
      tpu.vector_store %swap3A_638[%swap3A_639, %swap3A_640], %swap3A_643 {strides = array<i32>} : memref<128x128xf32, #tpu.memory_space<vmem>>, vector<1x16xf32>,
      %swap3A_644 = arith.constant 0 : i32
      %swap3A_645 = arith.constant 0 : i32
      %swap3A_646 = tpu.memref_slice %arg11[%scan3A_248, %swap3A_644, %swap3A_645] : memref<2x128x128xf32, #tpu.memory_space<vmem>> -> memref<1x128x128xf32, #tpu.memory_space<vmem>>
      %swap3A_647 = tpu.memref_squeeze %swap3A_646 : memref<1x128x128xf32, #tpu.memory_space<vmem>> -> memref<128x128xf32, #tpu.memory_space<vmem>>
      %swap3A_648 = arith.index_cast %scan3A_552 : i32 to index
      %swap3A_649 = arith.constant 32 : index
      %swap3A_650 = tpu.vector_load %swap3A_647[%swap3A_648, %swap3A_649] {strides = array<i32>} : memref<128x128xf32, #tpu.memory_space<vmem>>, vector<1x16xf32>,
      %swap3A_651 = vector.shape_cast %swap3A_650 : vector<1x16xf32> to vector<16xf32>
      %swap3A_652 = vector.shape_cast %get3A_626 : vector<16xf32> to vector<1x16xf32>
      tpu.vector_store %swap3A_647[%swap3A_648, %swap3A_649], %swap3A_652 {strides = array<i32>} : memref<128x128xf32, #tpu.memory_space<vmem>>, vector<1x16xf32>,
      %get3A_653 = arith.constant 0 : i32
      %get3A_654 = arith.constant 0 : i32
      %get3A_655 = tpu.memref_slice %arg10[%scan3A_247, %get3A_653, %get3A_654] : memref<2x128x128xf32, #tpu.memory_space<vmem>> -> memref<1x128x128xf32, #tpu.memory_space<vmem>>
      %get3A_656 = tpu.memref_squeeze %get3A_655 : memref<1x128x128xf32, #tpu.memory_space<vmem>> -> memref<128x128xf32, #tpu.memory_space<vmem>>
      %get3A_657 = arith.index_cast %scan3A_552 : i32 to index
      %get3A_658 = arith.constant 112 : index
      %get3A_659 = tpu.vector_load %get3A_656[%get3A_657, %get3A_658] {strides = array<i32>} : memref<128x128xf32, #tpu.memory_space<vmem>>, vector<1x16xf32>,
      %get3A_660 = vector.shape_cast %get3A_659 : vector<1x16xf32> to vector<16xf32>
      %get3A_661 = arith.constant 0 : i32
      %get3A_662 = arith.constant 0 : i32
      %get3A_663 = tpu.memref_slice %arg11[%scan3A_248, %get3A_661, %get3A_662] : memref<2x128x128xf32, #tpu.memory_space<vmem>> -> memref<1x128x128xf32, #tpu.memory_space<vmem>>
      %get3A_664 = tpu.memref_squeeze %get3A_663 : memref<1x128x128xf32, #tpu.memory_space<vmem>> -> memref<128x128xf32, #tpu.memory_space<vmem>>
      %get3A_665 = arith.index_cast %scan3A_552 : i32 to index
      %get3A_666 = arith.constant 48 : index
      %get3A_667 = tpu.vector_load %get3A_664[%get3A_665, %get3A_666] {strides = array<i32>} : memref<128x128xf32, #tpu.memory_space<vmem>>, vector<1x16xf32>,
      %get3A_668 = vector.shape_cast %get3A_667 : vector<1x16xf32> to vector<16xf32>
      %swap3A_669 = arith.constant 0 : i32
      %swap3A_670 = arith.constant 0 : i32
      %swap3A_671 = tpu.memref_slice %arg10[%scan3A_247, %swap3A_669, %swap3A_670] : memref<2x128x128xf32, #tpu.memory_space<vmem>> -> memref<1x128x128xf32, #tpu.memory_space<vmem>>
      %swap3A_672 = tpu.memref_squeeze %swap3A_671 : memref<1x128x128xf32, #tpu.memory_space<vmem>> -> memref<128x128xf32, #tpu.memory_space<vmem>>
      %swap3A_673 = arith.index_cast %scan3A_552 : i32 to index
      %swap3A_674 = arith.constant 112 : index
      %swap3A_675 = tpu.vector_load %swap3A_672[%swap3A_673, %swap3A_674] {strides = array<i32>} : memref<128x128xf32, #tpu.memory_space<vmem>>, vector<1x16xf32>,
      %swap3A_676 = vector.shape_cast %swap3A_675 : vector<1x16xf32> to vector<16xf32>
      %swap3A_677 = vector.shape_cast %get3A_668 : vector<16xf32> to vector<1x16xf32>
      tpu.vector_store %swap3A_672[%swap3A_673, %swap3A_674], %swap3A_677 {strides = array<i32>} : memref<128x128xf32, #tpu.memory_space<vmem>>, vector<1x16xf32>,
      %swap3A_678 = arith.constant 0 : i32
      %swap3A_679 = arith.constant 0 : i32
      %swap3A_680 = tpu.memref_slice %arg11[%scan3A_248, %swap3A_678, %swap3A_679] : memref<2x128x128xf32, #tpu.memory_space<vmem>> -> memref<1x128x128xf32, #tpu.memory_space<vmem>>
      %swap3A_681 = tpu.memref_squeeze %swap3A_680 : memref<1x128x128xf32, #tpu.memory_space<vmem>> -> memref<128x128xf32, #tpu.memory_space<vmem>>
      %swap3A_682 = arith.index_cast %scan3A_552 : i32 to index
      %swap3A_683 = arith.constant 48 : index
      %swap3A_684 = tpu.vector_load %swap3A_681[%swap3A_682, %swap3A_683] {strides = array<i32>} : memref<128x128xf32, #tpu.memory_space<vmem>>, vector<1x16xf32>,
      %swap3A_685 = vector.shape_cast %swap3A_684 : vector<1x16xf32> to vector<16xf32>
      %swap3A_686 = vector.shape_cast %get3A_660 : vector<16xf32> to vector<1x16xf32>
      tpu.vector_store %swap3A_681[%swap3A_682, %swap3A_683], %swap3A_686 {strides = array<i32>} : memref<128x128xf32, #tpu.memory_space<vmem>>, vector<1x16xf32>,
    }
    %scan3A_253 = arith.constant 128 : i32
    %add3A_254 = arith.constant 128 : i32
    %add3A_255 = arith.addi %mul3A_34, %add3A_254 : i32
    %dma_start3A_256 = arith.constant 1 : i32
    %dma_start3A_257 = arith.constant 1 : i32
    %dma_start3A_258 = arith.constant 0 : i32
    %dma_start3A_259 = arith.constant 0 : i32
    %dma_start3A_260 = tpu.memref_slice %arg10[%dma_start3A_256, %dma_start3A_258, %dma_start3A_259] : memref<2x128x128xf32, #tpu.memory_space<vmem>> -> memref<1x128x128xf32, #tpu.memory_space<vmem>>
    %dma_start3A_261 = tpu.memref_squeeze %dma_start3A_260 : memref<1x128x128xf32, #tpu.memory_space<vmem>> -> memref<128x128xf32, #tpu.memory_space<vmem>>
    %dma_start3A_262 = arith.constant 0 : i32
    %dma_start3A_263 = tpu.memref_slice %arg6[%add3A_255, %dma_start3A_262] : memref<16384x128xf32, #tpu.memory_space<hbm>> -> memref<128x128xf32, #tpu.memory_space<hbm>>
    %dma_start3A_264 = tpu.memref_slice %arg13[%dma_start3A_257] : memref<2x!tpu.dma_semaphore, #tpu.memory_space<semaphore_mem>> -> memref<1x!tpu.dma_semaphore, #tpu.memory_space<semaphore_mem>>
    %dma_start3A_265 = tpu.memref_squeeze %dma_start3A_264 : memref<1x!tpu.dma_semaphore, #tpu.memory_space<semaphore_mem>> -> memref<!tpu.dma_semaphore, #tpu.memory_space<semaphore_mem>>
    %dma_start3A_266 = arith.constant 0 : i32
    %dma_start3A_267 = tpu.memref_slice %arg6[%add3A_255, %dma_start3A_266] : memref<16384x128xf32, #tpu.memory_space<hbm>> -> memref<128x128xf32, #tpu.memory_space<hbm>>
    %dma_start3A_268 = arith.constant 0 : i32
    %dma_start3A_269 = arith.constant 0 : i32
    %dma_start3A_270 = tpu.memref_slice %arg10[%dma_start3A_256, %dma_start3A_268, %dma_start3A_269] : memref<2x128x128xf32, #tpu.memory_space<vmem>> -> memref<1x128x128xf32, #tpu.memory_space<vmem>>
    %dma_start3A_271 = tpu.memref_squeeze %dma_start3A_270 : memref<1x128x128xf32, #tpu.memory_space<vmem>> -> memref<128x128xf32, #tpu.memory_space<vmem>>
    tpu.enqueue_dma source(%dma_start3A_271 : memref<128x128xf32, #tpu.memory_space<vmem>>) target(%dma_start3A_267 : memref<128x128xf32, #tpu.memory_space<hbm>>) target_semaphore(%dma_start3A_265 : memref<!tpu.dma_semaphore, #tpu.memory_space<semaphore_mem>>)
    %dma_start3A_272 = arith.constant 1 : i32
    %dma_start3A_273 = arith.constant 1 : i32
    %dma_start3A_274 = arith.constant 0 : i32
    %dma_start3A_275 = arith.constant 0 : i32
    %dma_start3A_276 = tpu.memref_slice %arg11[%dma_start3A_272, %dma_start3A_274, %dma_start3A_275] : memref<2x128x128xf32, #tpu.memory_space<vmem>> -> memref<1x128x128xf32, #tpu.memory_space<vmem>>
    %dma_start3A_277 = tpu.memref_squeeze %dma_start3A_276 : memref<1x128x128xf32, #tpu.memory_space<vmem>> -> memref<128x128xf32, #tpu.memory_space<vmem>>
    %dma_start3A_278 = arith.constant 0 : i32
    %dma_start3A_279 = tpu.memref_slice %arg7[%add3A_255, %dma_start3A_278] : memref<16384x128xf32, #tpu.memory_space<hbm>> -> memref<128x128xf32, #tpu.memory_space<hbm>>
    %dma_start3A_280 = tpu.memref_slice %arg13[%dma_start3A_273] : memref<2x!tpu.dma_semaphore, #tpu.memory_space<semaphore_mem>> -> memref<1x!tpu.dma_semaphore, #tpu.memory_space<semaphore_mem>>
    %dma_start3A_281 = tpu.memref_squeeze %dma_start3A_280 : memref<1x!tpu.dma_semaphore, #tpu.memory_space<semaphore_mem>> -> memref<!tpu.dma_semaphore, #tpu.memory_space<semaphore_mem>>
    %dma_start3A_282 = arith.constant 0 : i32
    %dma_start3A_283 = tpu.memref_slice %arg7[%add3A_255, %dma_start3A_282] : memref<16384x128xf32, #tpu.memory_space<hbm>> -> memref<128x128xf32, #tpu.memory_space<hbm>>
    %dma_start3A_284 = arith.constant 0 : i32
    %dma_start3A_285 = arith.constant 0 : i32
    %dma_start3A_286 = tpu.memref_slice %arg11[%dma_start3A_272, %dma_start3A_284, %dma_start3A_285] : memref<2x128x128xf32, #tpu.memory_space<vmem>> -> memref<1x128x128xf32, #tpu.memory_space<vmem>>
    %dma_start3A_287 = tpu.memref_squeeze %dma_start3A_286 : memref<1x128x128xf32, #tpu.memory_space<vmem>> -> memref<128x128xf32, #tpu.memory_space<vmem>>
    tpu.enqueue_dma source(%dma_start3A_287 : memref<128x128xf32, #tpu.memory_space<vmem>>) target(%dma_start3A_283 : memref<128x128xf32, #tpu.memory_space<hbm>>) target_semaphore(%dma_start3A_281 : memref<!tpu.dma_semaphore, #tpu.memory_space<semaphore_mem>>)
    %dma_wait3A_288 = arith.constant 1 : i32
    %dma_wait3A_289 = arith.constant 1 : i32
    %dma_wait3A_290 = arith.constant 0 : i32
    %dma_wait3A_291 = arith.constant 0 : i32
    %dma_wait3A_292 = tpu.memref_slice %arg10[%dma_wait3A_288, %dma_wait3A_290, %dma_wait3A_291] : memref<2x128x128xf32, #tpu.memory_space<vmem>> -> memref<1x128x128xf32, #tpu.memory_space<vmem>>
    %dma_wait3A_293 = tpu.memref_squeeze %dma_wait3A_292 : memref<1x128x128xf32, #tpu.memory_space<vmem>> -> memref<128x128xf32, #tpu.memory_space<vmem>>
    %dma_wait3A_294 = arith.constant 0 : i32
    %dma_wait3A_295 = tpu.memref_slice %arg6[%add3A_255, %dma_wait3A_294] : memref<16384x128xf32, #tpu.memory_space<hbm>> -> memref<128x128xf32, #tpu.memory_space<hbm>>
    %dma_wait3A_296 = tpu.memref_slice %arg13[%dma_wait3A_289] : memref<2x!tpu.dma_semaphore, #tpu.memory_space<semaphore_mem>> -> memref<1x!tpu.dma_semaphore, #tpu.memory_space<semaphore_mem>>
    %dma_wait3A_297 = tpu.memref_squeeze %dma_wait3A_296 : memref<1x!tpu.dma_semaphore, #tpu.memory_space<semaphore_mem>> -> memref<!tpu.dma_semaphore, #tpu.memory_space<semaphore_mem>>
    %dma_wait3A_298 = arith.constant 0 : i32
    %dma_wait3A_299 = tpu.memref_slice %arg6[%add3A_255, %dma_wait3A_298] : memref<16384x128xf32, #tpu.memory_space<hbm>> -> memref<128x128xf32, #tpu.memory_space<hbm>>
    %dma_wait3A_300 = arith.constant 0 : i32
    %dma_wait3A_301 = arith.constant 0 : i32
    %dma_wait3A_302 = tpu.memref_slice %arg10[%dma_wait3A_288, %dma_wait3A_300, %dma_wait3A_301] : memref<2x128x128xf32, #tpu.memory_space<vmem>> -> memref<1x128x128xf32, #tpu.memory_space<vmem>>
    %dma_wait3A_303 = tpu.memref_squeeze %dma_wait3A_302 : memref<1x128x128xf32, #tpu.memory_space<vmem>> -> memref<128x128xf32, #tpu.memory_space<vmem>>
    tpu.wait_dma2 semaphore(%dma_wait3A_297 : memref<!tpu.dma_semaphore, #tpu.memory_space<semaphore_mem>>) src(%dma_wait3A_303 : memref<128x128xf32, #tpu.memory_space<vmem>>) dst(%dma_wait3A_299 : memref<128x128xf32, #tpu.memory_space<hbm>>)
    %dma_wait3A_304 = arith.constant 1 : i32
    %dma_wait3A_305 = arith.constant 1 : i32
    %dma_wait3A_306 = arith.constant 0 : i32
    %dma_wait3A_307 = arith.constant 0 : i32
    %dma_wait3A_308 = tpu.memref_slice %arg11[%dma_wait3A_304, %dma_wait3A_306, %dma_wait3A_307] : memref<2x128x128xf32, #tpu.memory_space<vmem>> -> memref<1x128x128xf32, #tpu.memory_space<vmem>>
    %dma_wait3A_309 = tpu.memref_squeeze %dma_wait3A_308 : memref<1x128x128xf32, #tpu.memory_space<vmem>> -> memref<128x128xf32, #tpu.memory_space<vmem>>
    %dma_wait3A_310 = arith.constant 0 : i32
    %dma_wait3A_311 = tpu.memref_slice %arg7[%add3A_255, %dma_wait3A_310] : memref<16384x128xf32, #tpu.memory_space<hbm>> -> memref<128x128xf32, #tpu.memory_space<hbm>>
    %dma_wait3A_312 = tpu.memref_slice %arg13[%dma_wait3A_305] : memref<2x!tpu.dma_semaphore, #tpu.memory_space<semaphore_mem>> -> memref<1x!tpu.dma_semaphore, #tpu.memory_space<semaphore_mem>>
    %dma_wait3A_313 = tpu.memref_squeeze %dma_wait3A_312 : memref<1x!tpu.dma_semaphore, #tpu.memory_space<semaphore_mem>> -> memref<!tpu.dma_semaphore, #tpu.memory_space<semaphore_mem>>
    %dma_wait3A_314 = arith.constant 0 : i32
    %dma_wait3A_315 = tpu.memref_slice %arg7[%add3A_255, %dma_wait3A_314] : memref<16384x128xf32, #tpu.memory_space<hbm>> -> memref<128x128xf32, #tpu.memory_space<hbm>>
    %dma_wait3A_316 = arith.constant 0 : i32
    %dma_wait3A_317 = arith.constant 0 : i32
    %dma_wait3A_318 = tpu.memref_slice %arg11[%dma_wait3A_304, %dma_wait3A_316, %dma_wait3A_317] : memref<2x128x128xf32, #tpu.memory_space<vmem>> -> memref<1x128x128xf32, #tpu.memory_space<vmem>>
    %dma_wait3A_319 = tpu.memref_squeeze %dma_wait3A_318 : memref<1x128x128xf32, #tpu.memory_space<vmem>> -> memref<128x128xf32, #tpu.memory_space<vmem>>
    tpu.wait_dma2 semaphore(%dma_wait3A_313 : memref<!tpu.dma_semaphore, #tpu.memory_space<semaphore_mem>>) src(%dma_wait3A_319 : memref<128x128xf32, #tpu.memory_space<vmem>>) dst(%dma_wait3A_315 : memref<128x128xf32, #tpu.memory_space<hbm>>)
    %dma_start3A_320 = arith.constant 1 : i32
    %dma_start3A_321 = arith.constant 1 : i32
    %dma_start3A_322 = arith.constant 0 : i32
    %dma_start3A_323 = arith.constant 0 : i32
    %dma_start3A_324 = tpu.memref_slice %arg10[%dma_start3A_320, %dma_start3A_322, %dma_start3A_323] : memref<2x128x128xf32, #tpu.memory_space<vmem>> -> memref<1x128x128xf32, #tpu.memory_space<vmem>>
    %dma_start3A_325 = tpu.memref_squeeze %dma_start3A_324 : memref<1x128x128xf32, #tpu.memory_space<vmem>> -> memref<128x128xf32, #tpu.memory_space<vmem>>
    %dma_start3A_326 = arith.constant 384 : i32
    %dma_start3A_327 = tpu.memref_slice %arg8[%select_n3A_32, %dma_start3A_326] : memref<8x512xi32, #tpu.memory_space<vmem>> -> memref<1x128xi32, #tpu.memory_space<vmem>>
    %dma_start3A_328 = tpu.memref_squeeze %dma_start3A_327 : memref<1x128xi32, #tpu.memory_space<vmem>> -> memref<128xi32, #tpu.memory_space<vmem>>
    %dma_start3A_329 = arith.constant 0 : i32
    %dma_start3A_330 = arith.constant 0 : i32
    %dma_start3A_331 = tpu.memref_slice %arg4[%dma_start3A_329, %dma_start3A_330] : memref<1000x128xf32, #tpu.memory_space<hbm>> -> memref<1000x128xf32, #tpu.memory_space<hbm>>
    %dma_start3A_332 = tpu.memref_slice %arg12[%dma_start3A_321] : memref<2x!tpu.dma_semaphore, #tpu.memory_space<semaphore_mem>> -> memref<1x!tpu.dma_semaphore, #tpu.memory_space<semaphore_mem>>
    %dma_start3A_333 = tpu.memref_squeeze %dma_start3A_332 : memref<1x!tpu.dma_semaphore, #tpu.memory_space<semaphore_mem>> -> memref<!tpu.dma_semaphore, #tpu.memory_space<semaphore_mem>>
    tpu.enqueue_indirect_dma source(%dma_start3A_331 : memref<1000x128xf32, #tpu.memory_space<hbm>>) target(%dma_start3A_325 : memref<128x128xf32, #tpu.memory_space<vmem>>) offsets(%dma_start3A_328 : memref<128xi32, #tpu.memory_space<vmem>>) semaphore(%dma_start3A_333 : memref<!tpu.dma_semaphore, #tpu.memory_space<semaphore_mem>>)
    %dma_start3A_334 = arith.constant 1 : i32
    %dma_start3A_335 = arith.constant 1 : i32
    %dma_start3A_336 = arith.constant 0 : i32
    %dma_start3A_337 = arith.constant 0 : i32
    %dma_start3A_338 = tpu.memref_slice %arg11[%dma_start3A_334, %dma_start3A_336, %dma_start3A_337] : memref<2x128x128xf32, #tpu.memory_space<vmem>> -> memref<1x128x128xf32, #tpu.memory_space<vmem>>
    %dma_start3A_339 = tpu.memref_squeeze %dma_start3A_338 : memref<1x128x128xf32, #tpu.memory_space<vmem>> -> memref<128x128xf32, #tpu.memory_space<vmem>>
    %dma_start3A_340 = arith.constant 384 : i32
    %dma_start3A_341 = tpu.memref_slice %arg9[%select_n3A_32, %dma_start3A_340] : memref<8x512xi32, #tpu.memory_space<vmem>> -> memref<1x128xi32, #tpu.memory_space<vmem>>
    %dma_start3A_342 = tpu.memref_squeeze %dma_start3A_341 : memref<1x128xi32, #tpu.memory_space<vmem>> -> memref<128xi32, #tpu.memory_space<vmem>>
    %dma_start3A_343 = arith.constant 0 : i32
    %dma_start3A_344 = arith.constant 0 : i32
    %dma_start3A_345 = tpu.memref_slice %arg5[%dma_start3A_343, %dma_start3A_344] : memref<100000x128xf32, #tpu.memory_space<hbm>> -> memref<100000x128xf32, #tpu.memory_space<hbm>>
    %dma_start3A_346 = tpu.memref_slice %arg12[%dma_start3A_335] : memref<2x!tpu.dma_semaphore, #tpu.memory_space<semaphore_mem>> -> memref<1x!tpu.dma_semaphore, #tpu.memory_space<semaphore_mem>>
    %dma_start3A_347 = tpu.memref_squeeze %dma_start3A_346 : memref<1x!tpu.dma_semaphore, #tpu.memory_space<semaphore_mem>> -> memref<!tpu.dma_semaphore, #tpu.memory_space<semaphore_mem>>
    tpu.enqueue_indirect_dma source(%dma_start3A_345 : memref<100000x128xf32, #tpu.memory_space<hbm>>) target(%dma_start3A_339 : memref<128x128xf32, #tpu.memory_space<vmem>>) offsets(%dma_start3A_342 : memref<128xi32, #tpu.memory_space<vmem>>) semaphore(%dma_start3A_347 : memref<!tpu.dma_semaphore, #tpu.memory_space<semaphore_mem>>)
    %dma_wait3A_348 = arith.constant 0 : i32
    %dma_wait3A_349 = arith.constant 0 : i32
    %dma_wait3A_350 = arith.constant 0 : i32
    %dma_wait3A_351 = arith.constant 0 : i32
    %dma_wait3A_352 = tpu.memref_slice %arg10[%dma_wait3A_348, %dma_wait3A_350, %dma_wait3A_351] : memref<2x128x128xf32, #tpu.memory_space<vmem>> -> memref<1x128x128xf32, #tpu.memory_space<vmem>>
    %dma_wait3A_353 = tpu.memref_squeeze %dma_wait3A_352 : memref<1x128x128xf32, #tpu.memory_space<vmem>> -> memref<128x128xf32, #tpu.memory_space<vmem>>
    %dma_wait3A_354 = arith.constant 256 : i32
    %dma_wait3A_355 = tpu.memref_slice %arg8[%select_n3A_32, %dma_wait3A_354] : memref<8x512xi32, #tpu.memory_space<vmem>> -> memref<1x128xi32, #tpu.memory_space<vmem>>
    %dma_wait3A_356 = tpu.memref_squeeze %dma_wait3A_355 : memref<1x128xi32, #tpu.memory_space<vmem>> -> memref<128xi32, #tpu.memory_space<vmem>>
    %dma_wait3A_357 = arith.constant 0 : i32
    %dma_wait3A_358 = arith.constant 0 : i32
    %dma_wait3A_359 = tpu.memref_slice %arg4[%dma_wait3A_357, %dma_wait3A_358] : memref<1000x128xf32, #tpu.memory_space<hbm>> -> memref<1000x128xf32, #tpu.memory_space<hbm>>
    %dma_wait3A_360 = tpu.memref_slice %arg12[%dma_wait3A_349] : memref<2x!tpu.dma_semaphore, #tpu.memory_space<semaphore_mem>> -> memref<1x!tpu.dma_semaphore, #tpu.memory_space<semaphore_mem>>
    %dma_wait3A_361 = tpu.memref_squeeze %dma_wait3A_360 : memref<1x!tpu.dma_semaphore, #tpu.memory_space<semaphore_mem>> -> memref<!tpu.dma_semaphore, #tpu.memory_space<semaphore_mem>>
    tpu.wait_indirect_dma semaphore(%dma_wait3A_361 : memref<!tpu.dma_semaphore, #tpu.memory_space<semaphore_mem>>) src(%dma_wait3A_359 : memref<1000x128xf32, #tpu.memory_space<hbm>>) dst(%dma_wait3A_353 : memref<128x128xf32, #tpu.memory_space<vmem>>)
    %dma_wait3A_362 = arith.constant 0 : i32
    %dma_wait3A_363 = arith.constant 0 : i32
    %dma_wait3A_364 = arith.constant 0 : i32
    %dma_wait3A_365 = arith.constant 0 : i32
    %dma_wait3A_366 = tpu.memref_slice %arg11[%dma_wait3A_362, %dma_wait3A_364, %dma_wait3A_365] : memref<2x128x128xf32, #tpu.memory_space<vmem>> -> memref<1x128x128xf32, #tpu.memory_space<vmem>>
    %dma_wait3A_367 = tpu.memref_squeeze %dma_wait3A_366 : memref<1x128x128xf32, #tpu.memory_space<vmem>> -> memref<128x128xf32, #tpu.memory_space<vmem>>
    %dma_wait3A_368 = arith.constant 256 : i32
    %dma_wait3A_369 = tpu.memref_slice %arg9[%select_n3A_32, %dma_wait3A_368] : memref<8x512xi32, #tpu.memory_space<vmem>> -> memref<1x128xi32, #tpu.memory_space<vmem>>
    %dma_wait3A_370 = tpu.memref_squeeze %dma_wait3A_369 : memref<1x128xi32, #tpu.memory_space<vmem>> -> memref<128xi32, #tpu.memory_space<vmem>>
    %dma_wait3A_371 = arith.constant 0 : i32
    %dma_wait3A_372 = arith.constant 0 : i32
    %dma_wait3A_373 = tpu.memref_slice %arg5[%dma_wait3A_371, %dma_wait3A_372] : memref<100000x128xf32, #tpu.memory_space<hbm>> -> memref<100000x128xf32, #tpu.memory_space<hbm>>
    %dma_wait3A_374 = tpu.memref_slice %arg12[%dma_wait3A_363] : memref<2x!tpu.dma_semaphore, #tpu.memory_space<semaphore_mem>> -> memref<1x!tpu.dma_semaphore, #tpu.memory_space<semaphore_mem>>
    %dma_wait3A_375 = tpu.memref_squeeze %dma_wait3A_374 : memref<1x!tpu.dma_semaphore, #tpu.memory_space<semaphore_mem>> -> memref<!tpu.dma_semaphore, #tpu.memory_space<semaphore_mem>>
    tpu.wait_indirect_dma semaphore(%dma_wait3A_375 : memref<!tpu.dma_semaphore, #tpu.memory_space<semaphore_mem>>) src(%dma_wait3A_373 : memref<100000x128xf32, #tpu.memory_space<hbm>>) dst(%dma_wait3A_367 : memref<128x128xf32, #tpu.memory_space<vmem>>)
    %scan3A_376 = arith.constant 0 : i32
    %scan3A_377 = arith.constant 0 : i32
    %scan3A_378 = arith.constant 0 : i32
    %scan3A_379 = arith.constant 0 : i32
    %scan3A_380 = arith.constant 128 : i32
    %scan3A_381 = arith.addi %scan3A_379, %scan3A_380 : i32
    %scan3A_382 = arith.constant 1 : i32
    scf.for %scan3A_552 = %scan3A_379 to %scan3A_381 step %scan3A_382  : i32 {
      %get3A = arith.constant 0 : i32
      %get3A_553 = arith.constant 0 : i32
      %get3A_554 = tpu.memref_slice %arg10[%scan3A_377, %get3A, %get3A_553] : memref<2x128x128xf32, #tpu.memory_space<vmem>> -> memref<1x128x128xf32, #tpu.memory_space<vmem>>
      %get3A_555 = tpu.memref_squeeze %get3A_554 : memref<1x128x128xf32, #tpu.memory_space<vmem>> -> memref<128x128xf32, #tpu.memory_space<vmem>>
      %get3A_556 = arith.index_cast %scan3A_552 : i32 to index
      %get3A_557 = arith.constant 64 : index
      %get3A_558 = tpu.vector_load %get3A_555[%get3A_556, %get3A_557] {strides = array<i32>} : memref<128x128xf32, #tpu.memory_space<vmem>>, vector<1x16xf32>,
      %get3A_559 = vector.shape_cast %get3A_558 : vector<1x16xf32> to vector<16xf32>
      %get3A_560 = arith.constant 0 : i32
      %get3A_561 = arith.constant 0 : i32
      %get3A_562 = tpu.memref_slice %arg11[%scan3A_378, %get3A_560, %get3A_561] : memref<2x128x128xf32, #tpu.memory_space<vmem>> -> memref<1x128x128xf32, #tpu.memory_space<vmem>>
      %get3A_563 = tpu.memref_squeeze %get3A_562 : memref<1x128x128xf32, #tpu.memory_space<vmem>> -> memref<128x128xf32, #tpu.memory_space<vmem>>
      %get3A_564 = arith.index_cast %scan3A_552 : i32 to index
      %get3A_565 = arith.constant 0 : index
      %get3A_566 = tpu.vector_load %get3A_563[%get3A_564, %get3A_565] {strides = array<i32>} : memref<128x128xf32, #tpu.memory_space<vmem>>, vector<1x16xf32>,
      %get3A_567 = vector.shape_cast %get3A_566 : vector<1x16xf32> to vector<16xf32>
      %swap3A = arith.constant 0 : i32
      %swap3A_568 = arith.constant 0 : i32
      %swap3A_569 = tpu.memref_slice %arg10[%scan3A_377, %swap3A, %swap3A_568] : memref<2x128x128xf32, #tpu.memory_space<vmem>> -> memref<1x128x128xf32, #tpu.memory_space<vmem>>
      %swap3A_570 = tpu.memref_squeeze %swap3A_569 : memref<1x128x128xf32, #tpu.memory_space<vmem>> -> memref<128x128xf32, #tpu.memory_space<vmem>>
      %swap3A_571 = arith.index_cast %scan3A_552 : i32 to index
      %swap3A_572 = arith.constant 64 : index
      %swap3A_573 = tpu.vector_load %swap3A_570[%swap3A_571, %swap3A_572] {strides = array<i32>} : memref<128x128xf32, #tpu.memory_space<vmem>>, vector<1x16xf32>,
      %swap3A_574 = vector.shape_cast %swap3A_573 : vector<1x16xf32> to vector<16xf32>
      %swap3A_575 = vector.shape_cast %get3A_567 : vector<16xf32> to vector<1x16xf32>
      tpu.vector_store %swap3A_570[%swap3A_571, %swap3A_572], %swap3A_575 {strides = array<i32>} : memref<128x128xf32, #tpu.memory_space<vmem>>, vector<1x16xf32>,
      %swap3A_576 = arith.constant 0 : i32
      %swap3A_577 = arith.constant 0 : i32
      %swap3A_578 = tpu.memref_slice %arg11[%scan3A_378, %swap3A_576, %swap3A_577] : memref<2x128x128xf32, #tpu.memory_space<vmem>> -> memref<1x128x128xf32, #tpu.memory_space<vmem>>
      %swap3A_579 = tpu.memref_squeeze %swap3A_578 : memref<1x128x128xf32, #tpu.memory_space<vmem>> -> memref<128x128xf32, #tpu.memory_space<vmem>>
      %swap3A_580 = arith.index_cast %scan3A_552 : i32 to index
      %swap3A_581 = arith.constant 0 : index
      %swap3A_582 = tpu.vector_load %swap3A_579[%swap3A_580, %swap3A_581] {strides = array<i32>} : memref<128x128xf32, #tpu.memory_space<vmem>>, vector<1x16xf32>,
      %swap3A_583 = vector.shape_cast %swap3A_582 : vector<1x16xf32> to vector<16xf32>
      %swap3A_584 = vector.shape_cast %get3A_559 : vector<16xf32> to vector<1x16xf32>
      tpu.vector_store %swap3A_579[%swap3A_580, %swap3A_581], %swap3A_584 {strides = array<i32>} : memref<128x128xf32, #tpu.memory_space<vmem>>, vector<1x16xf32>,
      %get3A_585 = arith.constant 0 : i32
      %get3A_586 = arith.constant 0 : i32
      %get3A_587 = tpu.memref_slice %arg10[%scan3A_377, %get3A_585, %get3A_586] : memref<2x128x128xf32, #tpu.memory_space<vmem>> -> memref<1x128x128xf32, #tpu.memory_space<vmem>>
      %get3A_588 = tpu.memref_squeeze %get3A_587 : memref<1x128x128xf32, #tpu.memory_space<vmem>> -> memref<128x128xf32, #tpu.memory_space<vmem>>
      %get3A_589 = arith.index_cast %scan3A_552 : i32 to index
      %get3A_590 = arith.constant 80 : index
      %get3A_591 = tpu.vector_load %get3A_588[%get3A_589, %get3A_590] {strides = array<i32>} : memref<128x128xf32, #tpu.memory_space<vmem>>, vector<1x16xf32>,
      %get3A_592 = vector.shape_cast %get3A_591 : vector<1x16xf32> to vector<16xf32>
      %get3A_593 = arith.constant 0 : i32
      %get3A_594 = arith.constant 0 : i32
      %get3A_595 = tpu.memref_slice %arg11[%scan3A_378, %get3A_593, %get3A_594] : memref<2x128x128xf32, #tpu.memory_space<vmem>> -> memref<1x128x128xf32, #tpu.memory_space<vmem>>
      %get3A_596 = tpu.memref_squeeze %get3A_595 : memref<1x128x128xf32, #tpu.memory_space<vmem>> -> memref<128x128xf32, #tpu.memory_space<vmem>>
      %get3A_597 = arith.index_cast %scan3A_552 : i32 to index
      %get3A_598 = arith.constant 16 : index
      %get3A_599 = tpu.vector_load %get3A_596[%get3A_597, %get3A_598] {strides = array<i32>} : memref<128x128xf32, #tpu.memory_space<vmem>>, vector<1x16xf32>,
      %get3A_600 = vector.shape_cast %get3A_599 : vector<1x16xf32> to vector<16xf32>
      %swap3A_601 = arith.constant 0 : i32
      %swap3A_602 = arith.constant 0 : i32
      %swap3A_603 = tpu.memref_slice %arg10[%scan3A_377, %swap3A_601, %swap3A_602] : memref<2x128x128xf32, #tpu.memory_space<vmem>> -> memref<1x128x128xf32, #tpu.memory_space<vmem>>
      %swap3A_604 = tpu.memref_squeeze %swap3A_603 : memref<1x128x128xf32, #tpu.memory_space<vmem>> -> memref<128x128xf32, #tpu.memory_space<vmem>>
      %swap3A_605 = arith.index_cast %scan3A_552 : i32 to index
      %swap3A_606 = arith.constant 80 : index
      %swap3A_607 = tpu.vector_load %swap3A_604[%swap3A_605, %swap3A_606] {strides = array<i32>} : memref<128x128xf32, #tpu.memory_space<vmem>>, vector<1x16xf32>,
      %swap3A_608 = vector.shape_cast %swap3A_607 : vector<1x16xf32> to vector<16xf32>
      %swap3A_609 = vector.shape_cast %get3A_600 : vector<16xf32> to vector<1x16xf32>
      tpu.vector_store %swap3A_604[%swap3A_605, %swap3A_606], %swap3A_609 {strides = array<i32>} : memref<128x128xf32, #tpu.memory_space<vmem>>, vector<1x16xf32>,
      %swap3A_610 = arith.constant 0 : i32
      %swap3A_611 = arith.constant 0 : i32
      %swap3A_612 = tpu.memref_slice %arg11[%scan3A_378, %swap3A_610, %swap3A_611] : memref<2x128x128xf32, #tpu.memory_space<vmem>> -> memref<1x128x128xf32, #tpu.memory_space<vmem>>
      %swap3A_613 = tpu.memref_squeeze %swap3A_612 : memref<1x128x128xf32, #tpu.memory_space<vmem>> -> memref<128x128xf32, #tpu.memory_space<vmem>>
      %swap3A_614 = arith.index_cast %scan3A_552 : i32 to index
      %swap3A_615 = arith.constant 16 : index
      %swap3A_616 = tpu.vector_load %swap3A_613[%swap3A_614, %swap3A_615] {strides = array<i32>} : memref<128x128xf32, #tpu.memory_space<vmem>>, vector<1x16xf32>,
      %swap3A_617 = vector.shape_cast %swap3A_616 : vector<1x16xf32> to vector<16xf32>
      %swap3A_618 = vector.shape_cast %get3A_592 : vector<16xf32> to vector<1x16xf32>
      tpu.vector_store %swap3A_613[%swap3A_614, %swap3A_615], %swap3A_618 {strides = array<i32>} : memref<128x128xf32, #tpu.memory_space<vmem>>, vector<1x16xf32>,
      %get3A_619 = arith.constant 0 : i32
      %get3A_620 = arith.constant 0 : i32
      %get3A_621 = tpu.memref_slice %arg10[%scan3A_377, %get3A_619, %get3A_620] : memref<2x128x128xf32, #tpu.memory_space<vmem>> -> memref<1x128x128xf32, #tpu.memory_space<vmem>>
      %get3A_622 = tpu.memref_squeeze %get3A_621 : memref<1x128x128xf32, #tpu.memory_space<vmem>> -> memref<128x128xf32, #tpu.memory_space<vmem>>
      %get3A_623 = arith.index_cast %scan3A_552 : i32 to index
      %get3A_624 = arith.constant 96 : index
      %get3A_625 = tpu.vector_load %get3A_622[%get3A_623, %get3A_624] {strides = array<i32>} : memref<128x128xf32, #tpu.memory_space<vmem>>, vector<1x16xf32>,
      %get3A_626 = vector.shape_cast %get3A_625 : vector<1x16xf32> to vector<16xf32>
      %get3A_627 = arith.constant 0 : i32
      %get3A_628 = arith.constant 0 : i32
      %get3A_629 = tpu.memref_slice %arg11[%scan3A_378, %get3A_627, %get3A_628] : memref<2x128x128xf32, #tpu.memory_space<vmem>> -> memref<1x128x128xf32, #tpu.memory_space<vmem>>
      %get3A_630 = tpu.memref_squeeze %get3A_629 : memref<1x128x128xf32, #tpu.memory_space<vmem>> -> memref<128x128xf32, #tpu.memory_space<vmem>>
      %get3A_631 = arith.index_cast %scan3A_552 : i32 to index
      %get3A_632 = arith.constant 32 : index
      %get3A_633 = tpu.vector_load %get3A_630[%get3A_631, %get3A_632] {strides = array<i32>} : memref<128x128xf32, #tpu.memory_space<vmem>>, vector<1x16xf32>,
      %get3A_634 = vector.shape_cast %get3A_633 : vector<1x16xf32> to vector<16xf32>
      %swap3A_635 = arith.constant 0 : i32
      %swap3A_636 = arith.constant 0 : i32
      %swap3A_637 = tpu.memref_slice %arg10[%scan3A_377, %swap3A_635, %swap3A_636] : memref<2x128x128xf32, #tpu.memory_space<vmem>> -> memref<1x128x128xf32, #tpu.memory_space<vmem>>
      %swap3A_638 = tpu.memref_squeeze %swap3A_637 : memref<1x128x128xf32, #tpu.memory_space<vmem>> -> memref<128x128xf32, #tpu.memory_space<vmem>>
      %swap3A_639 = arith.index_cast %scan3A_552 : i32 to index
      %swap3A_640 = arith.constant 96 : index
      %swap3A_641 = tpu.vector_load %swap3A_638[%swap3A_639, %swap3A_640] {strides = array<i32>} : memref<128x128xf32, #tpu.memory_space<vmem>>, vector<1x16xf32>,
      %swap3A_642 = vector.shape_cast %swap3A_641 : vector<1x16xf32> to vector<16xf32>
      %swap3A_643 = vector.shape_cast %get3A_634 : vector<16xf32> to vector<1x16xf32>
      tpu.vector_store %swap3A_638[%swap3A_639, %swap3A_640], %swap3A_643 {strides = array<i32>} : memref<128x128xf32, #tpu.memory_space<vmem>>, vector<1x16xf32>,
      %swap3A_644 = arith.constant 0 : i32
      %swap3A_645 = arith.constant 0 : i32
      %swap3A_646 = tpu.memref_slice %arg11[%scan3A_378, %swap3A_644, %swap3A_645] : memref<2x128x128xf32, #tpu.memory_space<vmem>> -> memref<1x128x128xf32, #tpu.memory_space<vmem>>
      %swap3A_647 = tpu.memref_squeeze %swap3A_646 : memref<1x128x128xf32, #tpu.memory_space<vmem>> -> memref<128x128xf32, #tpu.memory_space<vmem>>
      %swap3A_648 = arith.index_cast %scan3A_552 : i32 to index
      %swap3A_649 = arith.constant 32 : index
      %swap3A_650 = tpu.vector_load %swap3A_647[%swap3A_648, %swap3A_649] {strides = array<i32>} : memref<128x128xf32, #tpu.memory_space<vmem>>, vector<1x16xf32>,
      %swap3A_651 = vector.shape_cast %swap3A_650 : vector<1x16xf32> to vector<16xf32>
      %swap3A_652 = vector.shape_cast %get3A_626 : vector<16xf32> to vector<1x16xf32>
      tpu.vector_store %swap3A_647[%swap3A_648, %swap3A_649], %swap3A_652 {strides = array<i32>} : memref<128x128xf32, #tpu.memory_space<vmem>>, vector<1x16xf32>,
      %get3A_653 = arith.constant 0 : i32
      %get3A_654 = arith.constant 0 : i32
      %get3A_655 = tpu.memref_slice %arg10[%scan3A_377, %get3A_653, %get3A_654] : memref<2x128x128xf32, #tpu.memory_space<vmem>> -> memref<1x128x128xf32, #tpu.memory_space<vmem>>
      %get3A_656 = tpu.memref_squeeze %get3A_655 : memref<1x128x128xf32, #tpu.memory_space<vmem>> -> memref<128x128xf32, #tpu.memory_space<vmem>>
      %get3A_657 = arith.index_cast %scan3A_552 : i32 to index
      %get3A_658 = arith.constant 112 : index
      %get3A_659 = tpu.vector_load %get3A_656[%get3A_657, %get3A_658] {strides = array<i32>} : memref<128x128xf32, #tpu.memory_space<vmem>>, vector<1x16xf32>,
      %get3A_660 = vector.shape_cast %get3A_659 : vector<1x16xf32> to vector<16xf32>
      %get3A_661 = arith.constant 0 : i32
      %get3A_662 = arith.constant 0 : i32
      %get3A_663 = tpu.memref_slice %arg11[%scan3A_378, %get3A_661, %get3A_662] : memref<2x128x128xf32, #tpu.memory_space<vmem>> -> memref<1x128x128xf32, #tpu.memory_space<vmem>>
      %get3A_664 = tpu.memref_squeeze %get3A_663 : memref<1x128x128xf32, #tpu.memory_space<vmem>> -> memref<128x128xf32, #tpu.memory_space<vmem>>
      %get3A_665 = arith.index_cast %scan3A_552 : i32 to index
      %get3A_666 = arith.constant 48 : index
      %get3A_667 = tpu.vector_load %get3A_664[%get3A_665, %get3A_666] {strides = array<i32>} : memref<128x128xf32, #tpu.memory_space<vmem>>, vector<1x16xf32>,
      %get3A_668 = vector.shape_cast %get3A_667 : vector<1x16xf32> to vector<16xf32>
      %swap3A_669 = arith.constant 0 : i32
      %swap3A_670 = arith.constant 0 : i32
      %swap3A_671 = tpu.memref_slice %arg10[%scan3A_377, %swap3A_669, %swap3A_670] : memref<2x128x128xf32, #tpu.memory_space<vmem>> -> memref<1x128x128xf32, #tpu.memory_space<vmem>>
      %swap3A_672 = tpu.memref_squeeze %swap3A_671 : memref<1x128x128xf32, #tpu.memory_space<vmem>> -> memref<128x128xf32, #tpu.memory_space<vmem>>
      %swap3A_673 = arith.index_cast %scan3A_552 : i32 to index
      %swap3A_674 = arith.constant 112 : index
      %swap3A_675 = tpu.vector_load %swap3A_672[%swap3A_673, %swap3A_674] {strides = array<i32>} : memref<128x128xf32, #tpu.memory_space<vmem>>, vector<1x16xf32>,
      %swap3A_676 = vector.shape_cast %swap3A_675 : vector<1x16xf32> to vector<16xf32>
      %swap3A_677 = vector.shape_cast %get3A_668 : vector<16xf32> to vector<1x16xf32>
      tpu.vector_store %swap3A_672[%swap3A_673, %swap3A_674], %swap3A_677 {strides = array<i32>} : memref<128x128xf32, #tpu.memory_space<vmem>>, vector<1x16xf32>,
      %swap3A_678 = arith.constant 0 : i32
      %swap3A_679 = arith.constant 0 : i32
      %swap3A_680 = tpu.memref_slice %arg11[%scan3A_378, %swap3A_678, %swap3A_679] : memref<2x128x128xf32, #tpu.memory_space<vmem>> -> memref<1x128x128xf32, #tpu.memory_space<vmem>>
      %swap3A_681 = tpu.memref_squeeze %swap3A_680 : memref<1x128x128xf32, #tpu.memory_space<vmem>> -> memref<128x128xf32, #tpu.memory_space<vmem>>
      %swap3A_682 = arith.index_cast %scan3A_552 : i32 to index
      %swap3A_683 = arith.constant 48 : index
      %swap3A_684 = tpu.vector_load %swap3A_681[%swap3A_682, %swap3A_683] {strides = array<i32>} : memref<128x128xf32, #tpu.memory_space<vmem>>, vector<1x16xf32>,
      %swap3A_685 = vector.shape_cast %swap3A_684 : vector<1x16xf32> to vector<16xf32>
      %swap3A_686 = vector.shape_cast %get3A_660 : vector<16xf32> to vector<1x16xf32>
      tpu.vector_store %swap3A_681[%swap3A_682, %swap3A_683], %swap3A_686 {strides = array<i32>} : memref<128x128xf32, #tpu.memory_space<vmem>>, vector<1x16xf32>,
    }
    %scan3A_383 = arith.constant 128 : i32
    %add3A_384 = arith.constant 256 : i32
    %add3A_385 = arith.addi %mul3A_34, %add3A_384 : i32
    %dma_start3A_386 = arith.constant 0 : i32
    %dma_start3A_387 = arith.constant 0 : i32
    %dma_start3A_388 = arith.constant 0 : i32
    %dma_start3A_389 = arith.constant 0 : i32
    %dma_start3A_390 = tpu.memref_slice %arg10[%dma_start3A_386, %dma_start3A_388, %dma_start3A_389] : memref<2x128x128xf32, #tpu.memory_space<vmem>> -> memref<1x128x128xf32, #tpu.memory_space<vmem>>
    %dma_start3A_391 = tpu.memref_squeeze %dma_start3A_390 : memref<1x128x128xf32, #tpu.memory_space<vmem>> -> memref<128x128xf32, #tpu.memory_space<vmem>>
    %dma_start3A_392 = arith.constant 0 : i32
    %dma_start3A_393 = tpu.memref_slice %arg6[%add3A_385, %dma_start3A_392] : memref<16384x128xf32, #tpu.memory_space<hbm>> -> memref<128x128xf32, #tpu.memory_space<hbm>>
    %dma_start3A_394 = tpu.memref_slice %arg13[%dma_start3A_387] : memref<2x!tpu.dma_semaphore, #tpu.memory_space<semaphore_mem>> -> memref<1x!tpu.dma_semaphore, #tpu.memory_space<semaphore_mem>>
    %dma_start3A_395 = tpu.memref_squeeze %dma_start3A_394 : memref<1x!tpu.dma_semaphore, #tpu.memory_space<semaphore_mem>> -> memref<!tpu.dma_semaphore, #tpu.memory_space<semaphore_mem>>
    %dma_start3A_396 = arith.constant 0 : i32
    %dma_start3A_397 = tpu.memref_slice %arg6[%add3A_385, %dma_start3A_396] : memref<16384x128xf32, #tpu.memory_space<hbm>> -> memref<128x128xf32, #tpu.memory_space<hbm>>
    %dma_start3A_398 = arith.constant 0 : i32
    %dma_start3A_399 = arith.constant 0 : i32
    %dma_start3A_400 = tpu.memref_slice %arg10[%dma_start3A_386, %dma_start3A_398, %dma_start3A_399] : memref<2x128x128xf32, #tpu.memory_space<vmem>> -> memref<1x128x128xf32, #tpu.memory_space<vmem>>
    %dma_start3A_401 = tpu.memref_squeeze %dma_start3A_400 : memref<1x128x128xf32, #tpu.memory_space<vmem>> -> memref<128x128xf32, #tpu.memory_space<vmem>>
    tpu.enqueue_dma source(%dma_start3A_401 : memref<128x128xf32, #tpu.memory_space<vmem>>) target(%dma_start3A_397 : memref<128x128xf32, #tpu.memory_space<hbm>>) target_semaphore(%dma_start3A_395 : memref<!tpu.dma_semaphore, #tpu.memory_space<semaphore_mem>>)
    %dma_start3A_402 = arith.constant 0 : i32
    %dma_start3A_403 = arith.constant 0 : i32
    %dma_start3A_404 = arith.constant 0 : i32
    %dma_start3A_405 = arith.constant 0 : i32
    %dma_start3A_406 = tpu.memref_slice %arg11[%dma_start3A_402, %dma_start3A_404, %dma_start3A_405] : memref<2x128x128xf32, #tpu.memory_space<vmem>> -> memref<1x128x128xf32, #tpu.memory_space<vmem>>
    %dma_start3A_407 = tpu.memref_squeeze %dma_start3A_406 : memref<1x128x128xf32, #tpu.memory_space<vmem>> -> memref<128x128xf32, #tpu.memory_space<vmem>>
    %dma_start3A_408 = arith.constant 0 : i32
    %dma_start3A_409 = tpu.memref_slice %arg7[%add3A_385, %dma_start3A_408] : memref<16384x128xf32, #tpu.memory_space<hbm>> -> memref<128x128xf32, #tpu.memory_space<hbm>>
    %dma_start3A_410 = tpu.memref_slice %arg13[%dma_start3A_403] : memref<2x!tpu.dma_semaphore, #tpu.memory_space<semaphore_mem>> -> memref<1x!tpu.dma_semaphore, #tpu.memory_space<semaphore_mem>>
    %dma_start3A_411 = tpu.memref_squeeze %dma_start3A_410 : memref<1x!tpu.dma_semaphore, #tpu.memory_space<semaphore_mem>> -> memref<!tpu.dma_semaphore, #tpu.memory_space<semaphore_mem>>
    %dma_start3A_412 = arith.constant 0 : i32
    %dma_start3A_413 = tpu.memref_slice %arg7[%add3A_385, %dma_start3A_412] : memref<16384x128xf32, #tpu.memory_space<hbm>> -> memref<128x128xf32, #tpu.memory_space<hbm>>
    %dma_start3A_414 = arith.constant 0 : i32
    %dma_start3A_415 = arith.constant 0 : i32
    %dma_start3A_416 = tpu.memref_slice %arg11[%dma_start3A_402, %dma_start3A_414, %dma_start3A_415] : memref<2x128x128xf32, #tpu.memory_space<vmem>> -> memref<1x128x128xf32, #tpu.memory_space<vmem>>
    %dma_start3A_417 = tpu.memref_squeeze %dma_start3A_416 : memref<1x128x128xf32, #tpu.memory_space<vmem>> -> memref<128x128xf32, #tpu.memory_space<vmem>>
    tpu.enqueue_dma source(%dma_start3A_417 : memref<128x128xf32, #tpu.memory_space<vmem>>) target(%dma_start3A_413 : memref<128x128xf32, #tpu.memory_space<hbm>>) target_semaphore(%dma_start3A_411 : memref<!tpu.dma_semaphore, #tpu.memory_space<semaphore_mem>>)
    %dma_wait3A_418 = arith.constant 1 : i32
    %dma_wait3A_419 = arith.constant 1 : i32
    %dma_wait3A_420 = arith.constant 0 : i32
    %dma_wait3A_421 = arith.constant 0 : i32
    %dma_wait3A_422 = tpu.memref_slice %arg10[%dma_wait3A_418, %dma_wait3A_420, %dma_wait3A_421] : memref<2x128x128xf32, #tpu.memory_space<vmem>> -> memref<1x128x128xf32, #tpu.memory_space<vmem>>
    %dma_wait3A_423 = tpu.memref_squeeze %dma_wait3A_422 : memref<1x128x128xf32, #tpu.memory_space<vmem>> -> memref<128x128xf32, #tpu.memory_space<vmem>>
    %dma_wait3A_424 = arith.constant 384 : i32
    %dma_wait3A_425 = tpu.memref_slice %arg8[%select_n3A_32, %dma_wait3A_424] : memref<8x512xi32, #tpu.memory_space<vmem>> -> memref<1x128xi32, #tpu.memory_space<vmem>>
    %dma_wait3A_426 = tpu.memref_squeeze %dma_wait3A_425 : memref<1x128xi32, #tpu.memory_space<vmem>> -> memref<128xi32, #tpu.memory_space<vmem>>
    %dma_wait3A_427 = arith.constant 0 : i32
    %dma_wait3A_428 = arith.constant 0 : i32
    %dma_wait3A_429 = tpu.memref_slice %arg4[%dma_wait3A_427, %dma_wait3A_428] : memref<1000x128xf32, #tpu.memory_space<hbm>> -> memref<1000x128xf32, #tpu.memory_space<hbm>>
    %dma_wait3A_430 = tpu.memref_slice %arg12[%dma_wait3A_419] : memref<2x!tpu.dma_semaphore, #tpu.memory_space<semaphore_mem>> -> memref<1x!tpu.dma_semaphore, #tpu.memory_space<semaphore_mem>>
    %dma_wait3A_431 = tpu.memref_squeeze %dma_wait3A_430 : memref<1x!tpu.dma_semaphore, #tpu.memory_space<semaphore_mem>> -> memref<!tpu.dma_semaphore, #tpu.memory_space<semaphore_mem>>
    tpu.wait_indirect_dma semaphore(%dma_wait3A_431 : memref<!tpu.dma_semaphore, #tpu.memory_space<semaphore_mem>>) src(%dma_wait3A_429 : memref<1000x128xf32, #tpu.memory_space<hbm>>) dst(%dma_wait3A_423 : memref<128x128xf32, #tpu.memory_space<vmem>>)
    %dma_wait3A_432 = arith.constant 1 : i32
    %dma_wait3A_433 = arith.constant 1 : i32
    %dma_wait3A_434 = arith.constant 0 : i32
    %dma_wait3A_435 = arith.constant 0 : i32
    %dma_wait3A_436 = tpu.memref_slice %arg11[%dma_wait3A_432, %dma_wait3A_434, %dma_wait3A_435] : memref<2x128x128xf32, #tpu.memory_space<vmem>> -> memref<1x128x128xf32, #tpu.memory_space<vmem>>
    %dma_wait3A_437 = tpu.memref_squeeze %dma_wait3A_436 : memref<1x128x128xf32, #tpu.memory_space<vmem>> -> memref<128x128xf32, #tpu.memory_space<vmem>>
    %dma_wait3A_438 = arith.constant 384 : i32
    %dma_wait3A_439 = tpu.memref_slice %arg9[%select_n3A_32, %dma_wait3A_438] : memref<8x512xi32, #tpu.memory_space<vmem>> -> memref<1x128xi32, #tpu.memory_space<vmem>>
    %dma_wait3A_440 = tpu.memref_squeeze %dma_wait3A_439 : memref<1x128xi32, #tpu.memory_space<vmem>> -> memref<128xi32, #tpu.memory_space<vmem>>
    %dma_wait3A_441 = arith.constant 0 : i32
    %dma_wait3A_442 = arith.constant 0 : i32
    %dma_wait3A_443 = tpu.memref_slice %arg5[%dma_wait3A_441, %dma_wait3A_442] : memref<100000x128xf32, #tpu.memory_space<hbm>> -> memref<100000x128xf32, #tpu.memory_space<hbm>>
    %dma_wait3A_444 = tpu.memref_slice %arg12[%dma_wait3A_433] : memref<2x!tpu.dma_semaphore, #tpu.memory_space<semaphore_mem>> -> memref<1x!tpu.dma_semaphore, #tpu.memory_space<semaphore_mem>>
    %dma_wait3A_445 = tpu.memref_squeeze %dma_wait3A_444 : memref<1x!tpu.dma_semaphore, #tpu.memory_space<semaphore_mem>> -> memref<!tpu.dma_semaphore, #tpu.memory_space<semaphore_mem>>
    tpu.wait_indirect_dma semaphore(%dma_wait3A_445 : memref<!tpu.dma_semaphore, #tpu.memory_space<semaphore_mem>>) src(%dma_wait3A_443 : memref<100000x128xf32, #tpu.memory_space<hbm>>) dst(%dma_wait3A_437 : memref<128x128xf32, #tpu.memory_space<vmem>>)
    %scan3A_446 = arith.constant 0 : i32
    %scan3A_447 = arith.constant 1 : i32
    %scan3A_448 = arith.constant 1 : i32
    %scan3A_449 = arith.constant 0 : i32
    %scan3A_450 = arith.constant 128 : i32
    %scan3A_451 = arith.addi %scan3A_449, %scan3A_450 : i32
    %scan3A_452 = arith.constant 1 : i32
    scf.for %scan3A_552 = %scan3A_449 to %scan3A_451 step %scan3A_452  : i32 {
      %get3A = arith.constant 0 : i32
      %get3A_553 = arith.constant 0 : i32
      %get3A_554 = tpu.memref_slice %arg10[%scan3A_447, %get3A, %get3A_553] : memref<2x128x128xf32, #tpu.memory_space<vmem>> -> memref<1x128x128xf32, #tpu.memory_space<vmem>>
      %get3A_555 = tpu.memref_squeeze %get3A_554 : memref<1x128x128xf32, #tpu.memory_space<vmem>> -> memref<128x128xf32, #tpu.memory_space<vmem>>
      %get3A_556 = arith.index_cast %scan3A_552 : i32 to index
      %get3A_557 = arith.constant 64 : index
      %get3A_558 = tpu.vector_load %get3A_555[%get3A_556, %get3A_557] {strides = array<i32>} : memref<128x128xf32, #tpu.memory_space<vmem>>, vector<1x16xf32>,
      %get3A_559 = vector.shape_cast %get3A_558 : vector<1x16xf32> to vector<16xf32>
      %get3A_560 = arith.constant 0 : i32
      %get3A_561 = arith.constant 0 : i32
      %get3A_562 = tpu.memref_slice %arg11[%scan3A_448, %get3A_560, %get3A_561] : memref<2x128x128xf32, #tpu.memory_space<vmem>> -> memref<1x128x128xf32, #tpu.memory_space<vmem>>
      %get3A_563 = tpu.memref_squeeze %get3A_562 : memref<1x128x128xf32, #tpu.memory_space<vmem>> -> memref<128x128xf32, #tpu.memory_space<vmem>>
      %get3A_564 = arith.index_cast %scan3A_552 : i32 to index
      %get3A_565 = arith.constant 0 : index
      %get3A_566 = tpu.vector_load %get3A_563[%get3A_564, %get3A_565] {strides = array<i32>} : memref<128x128xf32, #tpu.memory_space<vmem>>, vector<1x16xf32>,
      %get3A_567 = vector.shape_cast %get3A_566 : vector<1x16xf32> to vector<16xf32>
      %swap3A = arith.constant 0 : i32
      %swap3A_568 = arith.constant 0 : i32
      %swap3A_569 = tpu.memref_slice %arg10[%scan3A_447, %swap3A, %swap3A_568] : memref<2x128x128xf32, #tpu.memory_space<vmem>> -> memref<1x128x128xf32, #tpu.memory_space<vmem>>
      %swap3A_570 = tpu.memref_squeeze %swap3A_569 : memref<1x128x128xf32, #tpu.memory_space<vmem>> -> memref<128x128xf32, #tpu.memory_space<vmem>>
      %swap3A_571 = arith.index_cast %scan3A_552 : i32 to index
      %swap3A_572 = arith.constant 64 : index
      %swap3A_573 = tpu.vector_load %swap3A_570[%swap3A_571, %swap3A_572] {strides = array<i32>} : memref<128x128xf32, #tpu.memory_space<vmem>>, vector<1x16xf32>,
      %swap3A_574 = vector.shape_cast %swap3A_573 : vector<1x16xf32> to vector<16xf32>
      %swap3A_575 = vector.shape_cast %get3A_567 : vector<16xf32> to vector<1x16xf32>
      tpu.vector_store %swap3A_570[%swap3A_571, %swap3A_572], %swap3A_575 {strides = array<i32>} : memref<128x128xf32, #tpu.memory_space<vmem>>, vector<1x16xf32>,
      %swap3A_576 = arith.constant 0 : i32
      %swap3A_577 = arith.constant 0 : i32
      %swap3A_578 = tpu.memref_slice %arg11[%scan3A_448, %swap3A_576, %swap3A_577] : memref<2x128x128xf32, #tpu.memory_space<vmem>> -> memref<1x128x128xf32, #tpu.memory_space<vmem>>
      %swap3A_579 = tpu.memref_squeeze %swap3A_578 : memref<1x128x128xf32, #tpu.memory_space<vmem>> -> memref<128x128xf32, #tpu.memory_space<vmem>>
      %swap3A_580 = arith.index_cast %scan3A_552 : i32 to index
      %swap3A_581 = arith.constant 0 : index
      %swap3A_582 = tpu.vector_load %swap3A_579[%swap3A_580, %swap3A_581] {strides = array<i32>} : memref<128x128xf32, #tpu.memory_space<vmem>>, vector<1x16xf32>,
      %swap3A_583 = vector.shape_cast %swap3A_582 : vector<1x16xf32> to vector<16xf32>
      %swap3A_584 = vector.shape_cast %get3A_559 : vector<16xf32> to vector<1x16xf32>
      tpu.vector_store %swap3A_579[%swap3A_580, %swap3A_581], %swap3A_584 {strides = array<i32>} : memref<128x128xf32, #tpu.memory_space<vmem>>, vector<1x16xf32>,
      %get3A_585 = arith.constant 0 : i32
      %get3A_586 = arith.constant 0 : i32
      %get3A_587 = tpu.memref_slice %arg10[%scan3A_447, %get3A_585, %get3A_586] : memref<2x128x128xf32, #tpu.memory_space<vmem>> -> memref<1x128x128xf32, #tpu.memory_space<vmem>>
      %get3A_588 = tpu.memref_squeeze %get3A_587 : memref<1x128x128xf32, #tpu.memory_space<vmem>> -> memref<128x128xf32, #tpu.memory_space<vmem>>
      %get3A_589 = arith.index_cast %scan3A_552 : i32 to index
      %get3A_590 = arith.constant 80 : index
      %get3A_591 = tpu.vector_load %get3A_588[%get3A_589, %get3A_590] {strides = array<i32>} : memref<128x128xf32, #tpu.memory_space<vmem>>, vector<1x16xf32>,
      %get3A_592 = vector.shape_cast %get3A_591 : vector<1x16xf32> to vector<16xf32>
      %get3A_593 = arith.constant 0 : i32
      %get3A_594 = arith.constant 0 : i32
      %get3A_595 = tpu.memref_slice %arg11[%scan3A_448, %get3A_593, %get3A_594] : memref<2x128x128xf32, #tpu.memory_space<vmem>> -> memref<1x128x128xf32, #tpu.memory_space<vmem>>
      %get3A_596 = tpu.memref_squeeze %get3A_595 : memref<1x128x128xf32, #tpu.memory_space<vmem>> -> memref<128x128xf32, #tpu.memory_space<vmem>>
      %get3A_597 = arith.index_cast %scan3A_552 : i32 to index
      %get3A_598 = arith.constant 16 : index
      %get3A_599 = tpu.vector_load %get3A_596[%get3A_597, %get3A_598] {strides = array<i32>} : memref<128x128xf32, #tpu.memory_space<vmem>>, vector<1x16xf32>,
      %get3A_600 = vector.shape_cast %get3A_599 : vector<1x16xf32> to vector<16xf32>
      %swap3A_601 = arith.constant 0 : i32
      %swap3A_602 = arith.constant 0 : i32
      %swap3A_603 = tpu.memref_slice %arg10[%scan3A_447, %swap3A_601, %swap3A_602] : memref<2x128x128xf32, #tpu.memory_space<vmem>> -> memref<1x128x128xf32, #tpu.memory_space<vmem>>
      %swap3A_604 = tpu.memref_squeeze %swap3A_603 : memref<1x128x128xf32, #tpu.memory_space<vmem>> -> memref<128x128xf32, #tpu.memory_space<vmem>>
      %swap3A_605 = arith.index_cast %scan3A_552 : i32 to index
      %swap3A_606 = arith.constant 80 : index
      %swap3A_607 = tpu.vector_load %swap3A_604[%swap3A_605, %swap3A_606] {strides = array<i32>} : memref<128x128xf32, #tpu.memory_space<vmem>>, vector<1x16xf32>,
      %swap3A_608 = vector.shape_cast %swap3A_607 : vector<1x16xf32> to vector<16xf32>
      %swap3A_609 = vector.shape_cast %get3A_600 : vector<16xf32> to vector<1x16xf32>
      tpu.vector_store %swap3A_604[%swap3A_605, %swap3A_606], %swap3A_609 {strides = array<i32>} : memref<128x128xf32, #tpu.memory_space<vmem>>, vector<1x16xf32>,
      %swap3A_610 = arith.constant 0 : i32
      %swap3A_611 = arith.constant 0 : i32
      %swap3A_612 = tpu.memref_slice %arg11[%scan3A_448, %swap3A_610, %swap3A_611] : memref<2x128x128xf32, #tpu.memory_space<vmem>> -> memref<1x128x128xf32, #tpu.memory_space<vmem>>
      %swap3A_613 = tpu.memref_squeeze %swap3A_612 : memref<1x128x128xf32, #tpu.memory_space<vmem>> -> memref<128x128xf32, #tpu.memory_space<vmem>>
      %swap3A_614 = arith.index_cast %scan3A_552 : i32 to index
      %swap3A_615 = arith.constant 16 : index
      %swap3A_616 = tpu.vector_load %swap3A_613[%swap3A_614, %swap3A_615] {strides = array<i32>} : memref<128x128xf32, #tpu.memory_space<vmem>>, vector<1x16xf32>,
      %swap3A_617 = vector.shape_cast %swap3A_616 : vector<1x16xf32> to vector<16xf32>
      %swap3A_618 = vector.shape_cast %get3A_592 : vector<16xf32> to vector<1x16xf32>
      tpu.vector_store %swap3A_613[%swap3A_614, %swap3A_615], %swap3A_618 {strides = array<i32>} : memref<128x128xf32, #tpu.memory_space<vmem>>, vector<1x16xf32>,
      %get3A_619 = arith.constant 0 : i32
      %get3A_620 = arith.constant 0 : i32
      %get3A_621 = tpu.memref_slice %arg10[%scan3A_447, %get3A_619, %get3A_620] : memref<2x128x128xf32, #tpu.memory_space<vmem>> -> memref<1x128x128xf32, #tpu.memory_space<vmem>>
      %get3A_622 = tpu.memref_squeeze %get3A_621 : memref<1x128x128xf32, #tpu.memory_space<vmem>> -> memref<128x128xf32, #tpu.memory_space<vmem>>
      %get3A_623 = arith.index_cast %scan3A_552 : i32 to index
      %get3A_624 = arith.constant 96 : index
      %get3A_625 = tpu.vector_load %get3A_622[%get3A_623, %get3A_624] {strides = array<i32>} : memref<128x128xf32, #tpu.memory_space<vmem>>, vector<1x16xf32>,
      %get3A_626 = vector.shape_cast %get3A_625 : vector<1x16xf32> to vector<16xf32>
      %get3A_627 = arith.constant 0 : i32
      %get3A_628 = arith.constant 0 : i32
      %get3A_629 = tpu.memref_slice %arg11[%scan3A_448, %get3A_627, %get3A_628] : memref<2x128x128xf32, #tpu.memory_space<vmem>> -> memref<1x128x128xf32, #tpu.memory_space<vmem>>
      %get3A_630 = tpu.memref_squeeze %get3A_629 : memref<1x128x128xf32, #tpu.memory_space<vmem>> -> memref<128x128xf32, #tpu.memory_space<vmem>>
      %get3A_631 = arith.index_cast %scan3A_552 : i32 to index
      %get3A_632 = arith.constant 32 : index
      %get3A_633 = tpu.vector_load %get3A_630[%get3A_631, %get3A_632] {strides = array<i32>} : memref<128x128xf32, #tpu.memory_space<vmem>>, vector<1x16xf32>,
      %get3A_634 = vector.shape_cast %get3A_633 : vector<1x16xf32> to vector<16xf32>
      %swap3A_635 = arith.constant 0 : i32
      %swap3A_636 = arith.constant 0 : i32
      %swap3A_637 = tpu.memref_slice %arg10[%scan3A_447, %swap3A_635, %swap3A_636] : memref<2x128x128xf32, #tpu.memory_space<vmem>> -> memref<1x128x128xf32, #tpu.memory_space<vmem>>
      %swap3A_638 = tpu.memref_squeeze %swap3A_637 : memref<1x128x128xf32, #tpu.memory_space<vmem>> -> memref<128x128xf32, #tpu.memory_space<vmem>>
      %swap3A_639 = arith.index_cast %scan3A_552 : i32 to index
      %swap3A_640 = arith.constant 96 : index
      %swap3A_641 = tpu.vector_load %swap3A_638[%swap3A_639, %swap3A_640] {strides = array<i32>} : memref<128x128xf32, #tpu.memory_space<vmem>>, vector<1x16xf32>,
      %swap3A_642 = vector.shape_cast %swap3A_641 : vector<1x16xf32> to vector<16xf32>
      %swap3A_643 = vector.shape_cast %get3A_634 : vector<16xf32> to vector<1x16xf32>
      tpu.vector_store %swap3A_638[%swap3A_639, %swap3A_640], %swap3A_643 {strides = array<i32>} : memref<128x128xf32, #tpu.memory_space<vmem>>, vector<1x16xf32>,
      %swap3A_644 = arith.constant 0 : i32
      %swap3A_645 = arith.constant 0 : i32
      %swap3A_646 = tpu.memref_slice %arg11[%scan3A_448, %swap3A_644, %swap3A_645] : memref<2x128x128xf32, #tpu.memory_space<vmem>> -> memref<1x128x128xf32, #tpu.memory_space<vmem>>
      %swap3A_647 = tpu.memref_squeeze %swap3A_646 : memref<1x128x128xf32, #tpu.memory_space<vmem>> -> memref<128x128xf32, #tpu.memory_space<vmem>>
      %swap3A_648 = arith.index_cast %scan3A_552 : i32 to index
      %swap3A_649 = arith.constant 32 : index
      %swap3A_650 = tpu.vector_load %swap3A_647[%swap3A_648, %swap3A_649] {strides = array<i32>} : memref<128x128xf32, #tpu.memory_space<vmem>>, vector<1x16xf32>,
      %swap3A_651 = vector.shape_cast %swap3A_650 : vector<1x16xf32> to vector<16xf32>
      %swap3A_652 = vector.shape_cast %get3A_626 : vector<16xf32> to vector<1x16xf32>
      tpu.vector_store %swap3A_647[%swap3A_648, %swap3A_649], %swap3A_652 {strides = array<i32>} : memref<128x128xf32, #tpu.memory_space<vmem>>, vector<1x16xf32>,
      %get3A_653 = arith.constant 0 : i32
      %get3A_654 = arith.constant 0 : i32
      %get3A_655 = tpu.memref_slice %arg10[%scan3A_447, %get3A_653, %get3A_654] : memref<2x128x128xf32, #tpu.memory_space<vmem>> -> memref<1x128x128xf32, #tpu.memory_space<vmem>>
      %get3A_656 = tpu.memref_squeeze %get3A_655 : memref<1x128x128xf32, #tpu.memory_space<vmem>> -> memref<128x128xf32, #tpu.memory_space<vmem>>
      %get3A_657 = arith.index_cast %scan3A_552 : i32 to index
      %get3A_658 = arith.constant 112 : index
      %get3A_659 = tpu.vector_load %get3A_656[%get3A_657, %get3A_658] {strides = array<i32>} : memref<128x128xf32, #tpu.memory_space<vmem>>, vector<1x16xf32>,
      %get3A_660 = vector.shape_cast %get3A_659 : vector<1x16xf32> to vector<16xf32>
      %get3A_661 = arith.constant 0 : i32
      %get3A_662 = arith.constant 0 : i32
      %get3A_663 = tpu.memref_slice %arg11[%scan3A_448, %get3A_661, %get3A_662] : memref<2x128x128xf32, #tpu.memory_space<vmem>> -> memref<1x128x128xf32, #tpu.memory_space<vmem>>
      %get3A_664 = tpu.memref_squeeze %get3A_663 : memref<1x128x128xf32, #tpu.memory_space<vmem>> -> memref<128x128xf32, #tpu.memory_space<vmem>>
      %get3A_665 = arith.index_cast %scan3A_552 : i32 to index
      %get3A_666 = arith.constant 48 : index
      %get3A_667 = tpu.vector_load %get3A_664[%get3A_665, %get3A_666] {strides = array<i32>} : memref<128x128xf32, #tpu.memory_space<vmem>>, vector<1x16xf32>,
      %get3A_668 = vector.shape_cast %get3A_667 : vector<1x16xf32> to vector<16xf32>
      %swap3A_669 = arith.constant 0 : i32
      %swap3A_670 = arith.constant 0 : i32
      %swap3A_671 = tpu.memref_slice %arg10[%scan3A_447, %swap3A_669, %swap3A_670] : memref<2x128x128xf32, #tpu.memory_space<vmem>> -> memref<1x128x128xf32, #tpu.memory_space<vmem>>
      %swap3A_672 = tpu.memref_squeeze %swap3A_671 : memref<1x128x128xf32, #tpu.memory_space<vmem>> -> memref<128x128xf32, #tpu.memory_space<vmem>>
      %swap3A_673 = arith.index_cast %scan3A_552 : i32 to index
      %swap3A_674 = arith.constant 112 : index
      %swap3A_675 = tpu.vector_load %swap3A_672[%swap3A_673, %swap3A_674] {strides = array<i32>} : memref<128x128xf32, #tpu.memory_space<vmem>>, vector<1x16xf32>,
      %swap3A_676 = vector.shape_cast %swap3A_675 : vector<1x16xf32> to vector<16xf32>
      %swap3A_677 = vector.shape_cast %get3A_668 : vector<16xf32> to vector<1x16xf32>
      tpu.vector_store %swap3A_672[%swap3A_673, %swap3A_674], %swap3A_677 {strides = array<i32>} : memref<128x128xf32, #tpu.memory_space<vmem>>, vector<1x16xf32>,
      %swap3A_678 = arith.constant 0 : i32
      %swap3A_679 = arith.constant 0 : i32
      %swap3A_680 = tpu.memref_slice %arg11[%scan3A_448, %swap3A_678, %swap3A_679] : memref<2x128x128xf32, #tpu.memory_space<vmem>> -> memref<1x128x128xf32, #tpu.memory_space<vmem>>
      %swap3A_681 = tpu.memref_squeeze %swap3A_680 : memref<1x128x128xf32, #tpu.memory_space<vmem>> -> memref<128x128xf32, #tpu.memory_space<vmem>>
      %swap3A_682 = arith.index_cast %scan3A_552 : i32 to index
      %swap3A_683 = arith.constant 48 : index
      %swap3A_684 = tpu.vector_load %swap3A_681[%swap3A_682, %swap3A_683] {strides = array<i32>} : memref<128x128xf32, #tpu.memory_space<vmem>>, vector<1x16xf32>,
      %swap3A_685 = vector.shape_cast %swap3A_684 : vector<1x16xf32> to vector<16xf32>
      %swap3A_686 = vector.shape_cast %get3A_660 : vector<16xf32> to vector<1x16xf32>
      tpu.vector_store %swap3A_681[%swap3A_682, %swap3A_683], %swap3A_686 {strides = array<i32>} : memref<128x128xf32, #tpu.memory_space<vmem>>, vector<1x16xf32>,
    }
    %scan3A_453 = arith.constant 128 : i32
    %add3A_454 = arith.constant 384 : i32
    %add3A_455 = arith.addi %mul3A_34, %add3A_454 : i32
    %dma_start3A_456 = arith.constant 1 : i32
    %dma_start3A_457 = arith.constant 1 : i32
    %dma_start3A_458 = arith.constant 0 : i32
    %dma_start3A_459 = arith.constant 0 : i32
    %dma_start3A_460 = tpu.memref_slice %arg10[%dma_start3A_456, %dma_start3A_458, %dma_start3A_459] : memref<2x128x128xf32, #tpu.memory_space<vmem>> -> memref<1x128x128xf32, #tpu.memory_space<vmem>>
    %dma_start3A_461 = tpu.memref_squeeze %dma_start3A_460 : memref<1x128x128xf32, #tpu.memory_space<vmem>> -> memref<128x128xf32, #tpu.memory_space<vmem>>
    %dma_start3A_462 = arith.constant 0 : i32
    %dma_start3A_463 = tpu.memref_slice %arg6[%add3A_455, %dma_start3A_462] : memref<16384x128xf32, #tpu.memory_space<hbm>> -> memref<128x128xf32, #tpu.memory_space<hbm>>
    %dma_start3A_464 = tpu.memref_slice %arg13[%dma_start3A_457] : memref<2x!tpu.dma_semaphore, #tpu.memory_space<semaphore_mem>> -> memref<1x!tpu.dma_semaphore, #tpu.memory_space<semaphore_mem>>
    %dma_start3A_465 = tpu.memref_squeeze %dma_start3A_464 : memref<1x!tpu.dma_semaphore, #tpu.memory_space<semaphore_mem>> -> memref<!tpu.dma_semaphore, #tpu.memory_space<semaphore_mem>>
    %dma_start3A_466 = arith.constant 0 : i32
    %dma_start3A_467 = tpu.memref_slice %arg6[%add3A_455, %dma_start3A_466] : memref<16384x128xf32, #tpu.memory_space<hbm>> -> memref<128x128xf32, #tpu.memory_space<hbm>>
    %dma_start3A_468 = arith.constant 0 : i32
    %dma_start3A_469 = arith.constant 0 : i32
    %dma_start3A_470 = tpu.memref_slice %arg10[%dma_start3A_456, %dma_start3A_468, %dma_start3A_469] : memref<2x128x128xf32, #tpu.memory_space<vmem>> -> memref<1x128x128xf32, #tpu.memory_space<vmem>>
    %dma_start3A_471 = tpu.memref_squeeze %dma_start3A_470 : memref<1x128x128xf32, #tpu.memory_space<vmem>> -> memref<128x128xf32, #tpu.memory_space<vmem>>
    tpu.enqueue_dma source(%dma_start3A_471 : memref<128x128xf32, #tpu.memory_space<vmem>>) target(%dma_start3A_467 : memref<128x128xf32, #tpu.memory_space<hbm>>) target_semaphore(%dma_start3A_465 : memref<!tpu.dma_semaphore, #tpu.memory_space<semaphore_mem>>)
    %dma_start3A_472 = arith.constant 1 : i32
    %dma_start3A_473 = arith.constant 1 : i32
    %dma_start3A_474 = arith.constant 0 : i32
    %dma_start3A_475 = arith.constant 0 : i32
    %dma_start3A_476 = tpu.memref_slice %arg11[%dma_start3A_472, %dma_start3A_474, %dma_start3A_475] : memref<2x128x128xf32, #tpu.memory_space<vmem>> -> memref<1x128x128xf32, #tpu.memory_space<vmem>>
    %dma_start3A_477 = tpu.memref_squeeze %dma_start3A_476 : memref<1x128x128xf32, #tpu.memory_space<vmem>> -> memref<128x128xf32, #tpu.memory_space<vmem>>
    %dma_start3A_478 = arith.constant 0 : i32
    %dma_start3A_479 = tpu.memref_slice %arg7[%add3A_455, %dma_start3A_478] : memref<16384x128xf32, #tpu.memory_space<hbm>> -> memref<128x128xf32, #tpu.memory_space<hbm>>
    %dma_start3A_480 = tpu.memref_slice %arg13[%dma_start3A_473] : memref<2x!tpu.dma_semaphore, #tpu.memory_space<semaphore_mem>> -> memref<1x!tpu.dma_semaphore, #tpu.memory_space<semaphore_mem>>
    %dma_start3A_481 = tpu.memref_squeeze %dma_start3A_480 : memref<1x!tpu.dma_semaphore, #tpu.memory_space<semaphore_mem>> -> memref<!tpu.dma_semaphore, #tpu.memory_space<semaphore_mem>>
    %dma_start3A_482 = arith.constant 0 : i32
    %dma_start3A_483 = tpu.memref_slice %arg7[%add3A_455, %dma_start3A_482] : memref<16384x128xf32, #tpu.memory_space<hbm>> -> memref<128x128xf32, #tpu.memory_space<hbm>>
    %dma_start3A_484 = arith.constant 0 : i32
    %dma_start3A_485 = arith.constant 0 : i32
    %dma_start3A_486 = tpu.memref_slice %arg11[%dma_start3A_472, %dma_start3A_484, %dma_start3A_485] : memref<2x128x128xf32, #tpu.memory_space<vmem>> -> memref<1x128x128xf32, #tpu.memory_space<vmem>>
    %dma_start3A_487 = tpu.memref_squeeze %dma_start3A_486 : memref<1x128x128xf32, #tpu.memory_space<vmem>> -> memref<128x128xf32, #tpu.memory_space<vmem>>
    tpu.enqueue_dma source(%dma_start3A_487 : memref<128x128xf32, #tpu.memory_space<vmem>>) target(%dma_start3A_483 : memref<128x128xf32, #tpu.memory_space<hbm>>) target_semaphore(%dma_start3A_481 : memref<!tpu.dma_semaphore, #tpu.memory_space<semaphore_mem>>)
    %dma_wait3A_488 = arith.constant 0 : i32
    %dma_wait3A_489 = arith.constant 0 : i32
    %dma_wait3A_490 = arith.constant 0 : i32
    %dma_wait3A_491 = arith.constant 0 : i32
    %dma_wait3A_492 = tpu.memref_slice %arg10[%dma_wait3A_488, %dma_wait3A_490, %dma_wait3A_491] : memref<2x128x128xf32, #tpu.memory_space<vmem>> -> memref<1x128x128xf32, #tpu.memory_space<vmem>>
    %dma_wait3A_493 = tpu.memref_squeeze %dma_wait3A_492 : memref<1x128x128xf32, #tpu.memory_space<vmem>> -> memref<128x128xf32, #tpu.memory_space<vmem>>
    %dma_wait3A_494 = arith.constant 0 : i32
    %dma_wait3A_495 = tpu.memref_slice %arg6[%add3A_385, %dma_wait3A_494] : memref<16384x128xf32, #tpu.memory_space<hbm>> -> memref<128x128xf32, #tpu.memory_space<hbm>>
    %dma_wait3A_496 = tpu.memref_slice %arg13[%dma_wait3A_489] : memref<2x!tpu.dma_semaphore, #tpu.memory_space<semaphore_mem>> -> memref<1x!tpu.dma_semaphore, #tpu.memory_space<semaphore_mem>>
    %dma_wait3A_497 = tpu.memref_squeeze %dma_wait3A_496 : memref<1x!tpu.dma_semaphore, #tpu.memory_space<semaphore_mem>> -> memref<!tpu.dma_semaphore, #tpu.memory_space<semaphore_mem>>
    %dma_wait3A_498 = arith.constant 0 : i32
    %dma_wait3A_499 = tpu.memref_slice %arg6[%add3A_385, %dma_wait3A_498] : memref<16384x128xf32, #tpu.memory_space<hbm>> -> memref<128x128xf32, #tpu.memory_space<hbm>>
    %dma_wait3A_500 = arith.constant 0 : i32
    %dma_wait3A_501 = arith.constant 0 : i32
    %dma_wait3A_502 = tpu.memref_slice %arg10[%dma_wait3A_488, %dma_wait3A_500, %dma_wait3A_501] : memref<2x128x128xf32, #tpu.memory_space<vmem>> -> memref<1x128x128xf32, #tpu.memory_space<vmem>>
    %dma_wait3A_503 = tpu.memref_squeeze %dma_wait3A_502 : memref<1x128x128xf32, #tpu.memory_space<vmem>> -> memref<128x128xf32, #tpu.memory_space<vmem>>
    tpu.wait_dma2 semaphore(%dma_wait3A_497 : memref<!tpu.dma_semaphore, #tpu.memory_space<semaphore_mem>>) src(%dma_wait3A_503 : memref<128x128xf32, #tpu.memory_space<vmem>>) dst(%dma_wait3A_499 : memref<128x128xf32, #tpu.memory_space<hbm>>)
    %dma_wait3A_504 = arith.constant 0 : i32
    %dma_wait3A_505 = arith.constant 0 : i32
    %dma_wait3A_506 = arith.constant 0 : i32
    %dma_wait3A_507 = arith.constant 0 : i32
    %dma_wait3A_508 = tpu.memref_slice %arg11[%dma_wait3A_504, %dma_wait3A_506, %dma_wait3A_507] : memref<2x128x128xf32, #tpu.memory_space<vmem>> -> memref<1x128x128xf32, #tpu.memory_space<vmem>>
    %dma_wait3A_509 = tpu.memref_squeeze %dma_wait3A_508 : memref<1x128x128xf32, #tpu.memory_space<vmem>> -> memref<128x128xf32, #tpu.memory_space<vmem>>
    %dma_wait3A_510 = arith.constant 0 : i32
    %dma_wait3A_511 = tpu.memref_slice %arg7[%add3A_385, %dma_wait3A_510] : memref<16384x128xf32, #tpu.memory_space<hbm>> -> memref<128x128xf32, #tpu.memory_space<hbm>>
    %dma_wait3A_512 = tpu.memref_slice %arg13[%dma_wait3A_505] : memref<2x!tpu.dma_semaphore, #tpu.memory_space<semaphore_mem>> -> memref<1x!tpu.dma_semaphore, #tpu.memory_space<semaphore_mem>>
    %dma_wait3A_513 = tpu.memref_squeeze %dma_wait3A_512 : memref<1x!tpu.dma_semaphore, #tpu.memory_space<semaphore_mem>> -> memref<!tpu.dma_semaphore, #tpu.memory_space<semaphore_mem>>
    %dma_wait3A_514 = arith.constant 0 : i32
    %dma_wait3A_515 = tpu.memref_slice %arg7[%add3A_385, %dma_wait3A_514] : memref<16384x128xf32, #tpu.memory_space<hbm>> -> memref<128x128xf32, #tpu.memory_space<hbm>>
    %dma_wait3A_516 = arith.constant 0 : i32
    %dma_wait3A_517 = arith.constant 0 : i32
    %dma_wait3A_518 = tpu.memref_slice %arg11[%dma_wait3A_504, %dma_wait3A_516, %dma_wait3A_517] : memref<2x128x128xf32, #tpu.memory_space<vmem>> -> memref<1x128x128xf32, #tpu.memory_space<vmem>>
    %dma_wait3A_519 = tpu.memref_squeeze %dma_wait3A_518 : memref<1x128x128xf32, #tpu.memory_space<vmem>> -> memref<128x128xf32, #tpu.memory_space<vmem>>
    tpu.wait_dma2 semaphore(%dma_wait3A_513 : memref<!tpu.dma_semaphore, #tpu.memory_space<semaphore_mem>>) src(%dma_wait3A_519 : memref<128x128xf32, #tpu.memory_space<vmem>>) dst(%dma_wait3A_515 : memref<128x128xf32, #tpu.memory_space<hbm>>)
    %dma_wait3A_520 = arith.constant 1 : i32
    %dma_wait3A_521 = arith.constant 1 : i32
    %dma_wait3A_522 = arith.constant 0 : i32
    %dma_wait3A_523 = arith.constant 0 : i32
    %dma_wait3A_524 = tpu.memref_slice %arg10[%dma_wait3A_520, %dma_wait3A_522, %dma_wait3A_523] : memref<2x128x128xf32, #tpu.memory_space<vmem>> -> memref<1x128x128xf32, #tpu.memory_space<vmem>>
    %dma_wait3A_525 = tpu.memref_squeeze %dma_wait3A_524 : memref<1x128x128xf32, #tpu.memory_space<vmem>> -> memref<128x128xf32, #tpu.memory_space<vmem>>
    %dma_wait3A_526 = arith.constant 0 : i32
    %dma_wait3A_527 = tpu.memref_slice %arg6[%add3A_455, %dma_wait3A_526] : memref<16384x128xf32, #tpu.memory_space<hbm>> -> memref<128x128xf32, #tpu.memory_space<hbm>>
    %dma_wait3A_528 = tpu.memref_slice %arg13[%dma_wait3A_521] : memref<2x!tpu.dma_semaphore, #tpu.memory_space<semaphore_mem>> -> memref<1x!tpu.dma_semaphore, #tpu.memory_space<semaphore_mem>>
    %dma_wait3A_529 = tpu.memref_squeeze %dma_wait3A_528 : memref<1x!tpu.dma_semaphore, #tpu.memory_space<semaphore_mem>> -> memref<!tpu.dma_semaphore, #tpu.memory_space<semaphore_mem>>
    %dma_wait3A_530 = arith.constant 0 : i32
    %dma_wait3A_531 = tpu.memref_slice %arg6[%add3A_455, %dma_wait3A_530] : memref<16384x128xf32, #tpu.memory_space<hbm>> -> memref<128x128xf32, #tpu.memory_space<hbm>>
    %dma_wait3A_532 = arith.constant 0 : i32
    %dma_wait3A_533 = arith.constant 0 : i32
    %dma_wait3A_534 = tpu.memref_slice %arg10[%dma_wait3A_520, %dma_wait3A_532, %dma_wait3A_533] : memref<2x128x128xf32, #tpu.memory_space<vmem>> -> memref<1x128x128xf32, #tpu.memory_space<vmem>>
    %dma_wait3A_535 = tpu.memref_squeeze %dma_wait3A_534 : memref<1x128x128xf32, #tpu.memory_space<vmem>> -> memref<128x128xf32, #tpu.memory_space<vmem>>
    tpu.wait_dma2 semaphore(%dma_wait3A_529 : memref<!tpu.dma_semaphore, #tpu.memory_space<semaphore_mem>>) src(%dma_wait3A_535 : memref<128x128xf32, #tpu.memory_space<vmem>>) dst(%dma_wait3A_531 : memref<128x128xf32, #tpu.memory_space<hbm>>)
    %dma_wait3A_536 = arith.constant 1 : i32
    %dma_wait3A_537 = arith.constant 1 : i32
    %dma_wait3A_538 = arith.constant 0 : i32
    %dma_wait3A_539 = arith.constant 0 : i32
    %dma_wait3A_540 = tpu.memref_slice %arg11[%dma_wait3A_536, %dma_wait3A_538, %dma_wait3A_539] : memref<2x128x128xf32, #tpu.memory_space<vmem>> -> memref<1x128x128xf32, #tpu.memory_space<vmem>>
    %dma_wait3A_541 = tpu.memref_squeeze %dma_wait3A_540 : memref<1x128x128xf32, #tpu.memory_space<vmem>> -> memref<128x128xf32, #tpu.memory_space<vmem>>
    %dma_wait3A_542 = arith.constant 0 : i32
    %dma_wait3A_543 = tpu.memref_slice %arg7[%add3A_455, %dma_wait3A_542] : memref<16384x128xf32, #tpu.memory_space<hbm>> -> memref<128x128xf32, #tpu.memory_space<hbm>>
    %dma_wait3A_544 = tpu.memref_slice %arg13[%dma_wait3A_537] : memref<2x!tpu.dma_semaphore, #tpu.memory_space<semaphore_mem>> -> memref<1x!tpu.dma_semaphore, #tpu.memory_space<semaphore_mem>>
    %dma_wait3A_545 = tpu.memref_squeeze %dma_wait3A_544 : memref<1x!tpu.dma_semaphore, #tpu.memory_space<semaphore_mem>> -> memref<!tpu.dma_semaphore, #tpu.memory_space<semaphore_mem>>
    %dma_wait3A_546 = arith.constant 0 : i32
    %dma_wait3A_547 = tpu.memref_slice %arg7[%add3A_455, %dma_wait3A_546] : memref<16384x128xf32, #tpu.memory_space<hbm>> -> memref<128x128xf32, #tpu.memory_space<hbm>>
    %dma_wait3A_548 = arith.constant 0 : i32
    %dma_wait3A_549 = arith.constant 0 : i32
    %dma_wait3A_550 = tpu.memref_slice %arg11[%dma_wait3A_536, %dma_wait3A_548, %dma_wait3A_549] : memref<2x128x128xf32, #tpu.memory_space<vmem>> -> memref<1x128x128xf32, #tpu.memory_space<vmem>>
    %dma_wait3A_551 = tpu.memref_squeeze %dma_wait3A_550 : memref<1x128x128xf32, #tpu.memory_space<vmem>> -> memref<128x128xf32, #tpu.memory_space<vmem>>
    tpu.wait_dma2 semaphore(%dma_wait3A_545 : memref<!tpu.dma_semaphore, #tpu.memory_space<semaphore_mem>>) src(%dma_wait3A_551 : memref<128x128xf32, #tpu.memory_space<vmem>>) dst(%dma_wait3A_547 : memref<128x128xf32, #tpu.memory_space<hbm>>)
    return
  }
}

</mosaic_0001>

<sc_bundles>
// kernel: embedding_dict_sc.3.cloned.1.call-start
scs
__scs_entry_jumppad:
0x0: {  	(pc) =	sbr.rel $0x88, $3  }
0x1: {  	(tag) =	ssettag $0x0;
	lr =	simm.s32 $0x1  }
0x2: {  	[smem:$0x3F9B] =	sst lr;
	_ =	strace $0xD0000000  }
0x3: {  	_ = 	snop  }
0x4: {  	_ = 	snop  }
0x5: {  	_ = 	snop  }
0x6: {  	_ = 	snop  }
0x7: {  	_ = 	snop  }
__scs_overlays_trampoline_lowered:
0x8: {  	[smem:$0x3FAA] =	sst s0  }
0x9: {  	[smem:$0x3FAB] =	sst s1  }
0xa: {  	[smem:$0x3FAC] =	sst s2  }
0xb: {  	[smem:$0x3FAD] =	sst s3  }
0xc: {  	[smem:$0x3FAE] =	sst s4  }
0xd: {  	[smem:$0x3FAF] =	sst s5  }
0xe: {  	[smem:$0x3FB0] =	sst s6  }
0xf: {  	[smem:$0x3FB1] =	sst s7  }
0x10: {  	[smem:$0x3FB2] =	sst s8  }
0x11: {  	[smem:$0x3FB3] =	sst s9;
	s0 =	simm.s32 @!p0 $0x0  }
0x12: {  	s1 =	sld [smem:$0x3F99];
	s0 =	simm.s32 @p0 $0x1  }
0x13: {  	[smem:$0x3FB4] =	sst s0;
	s0 =	simm.s32 @!p1 $0x0  }
0x14: {  	s2 =	sld [smem:$0x3F98];
	s0 =	simm.s32 @p1 $0x1  }
0x15: {  	[smem:$0x3FB5] =	sst s0;
	s0 =	simm.s32 @!p2 $0x0  }
0x16: {  	s3 =	sld [smem:$0x3FDB];
	s0 =	simm.s32 @p2 $0x1  }
0x17: {  	s4 =	simm.s32 $0x1BF5;
	[smem:$0x3FB7] =	sst s0  }
0x18: {  	s0 =	sld [smem:$0x3F9A];
	_ =	swait.ge [sflag:s4], $0x0  }
0x19: {  	s7 =	sld [smem:$0x3F9B]  }
0x1a: {  	s8 =	sadd.s32 $0xFFFFE003, lr  }
0x1b: {  	s9 =	sadd.s32 $0xFFFFFEF7, lr;
	s5 =	simm.s32 $0xFFFFFFFF;
	p2 =	slt.u32 s8, $0xFFFFF086  }
0x1c: {  	p1 =	slt.u32 s9, $0xF7A;
	s5 =	simm.s32 @!p2 $0x0  }
0x1d: {  	s5 =	simm.s32 @p1 $0x1;
	p0 =	seq.s32 s7, s2  }
0x1e: {  	s7 =	smul.u32 @!p0 $0xF7A, s2;
	p2 =	seq.s32 @!p0 s5, $0x0  }
0x1f: {  	s9 =	smul.u32 $0xF7A, s1;
	s8 =	simm.s32 @!p0 $0x1BF5;
	p2 =	por !p2, p0  }
0x20: {  	[sflag:s8] =	ssyncset.s32 @!p0 $0xFFFFF086;
	s6 =	sadd.s32 @!p0 s3, s7;
	s7 =	simm.s32 @!p0 $0x108  }
0x21: {  	s3 =	sadd.s32 s3, s9;
	s6 =	sadd.s32 @!p0 $0x88, s6;
	s7 =	simm.s32 @p2 $0x1082  }
0x22: {  	[simem:s7], [sflag:s8] =	dma.local @!p0 [hbm:s6], $0xF7A  }
0x23: {  	s9 =	sor.u32 $0xD0000000, s2;
	s6 =	simm.s32 $0x108;
	_ =	swait.ge @!p0 [sflag:s8], $0x0  }
0x24: {  	s3 =	sadd.s32 $0x88, s3;
	s6 =	simm.s32 @!p1 $0x1082;
	[sflag:s4] =	ssyncset.s32 $0xFFFFF086  }
0x25: {  	[simem:s6], [sflag:s4] =	dma.local [hbm:s3], $0xF7A  }
0x26: {  	[smem:$0x3F9B] =	sst s1;
	(tag) =	ssettag s2;
	_ =	strace s9  }
0x27: {  	s1 =	sld [smem:$0x3FAB]  }
0x28: {  	s2 =	sld [smem:$0x3FAC]  }
0x29: {  	s4 =	sld [smem:$0x3FAE]  }
0x2a: {  	p0 =	seq.s32 s5, $0x0;
	s5 =	sld [smem:$0x3FAF]  }
0x2b: {  	s6 =	sld [smem:$0x3FB0]  }
0x2c: {  	s7 =	sld [smem:$0x3FB1]  }
0x2d: {  	s3 =	simm.s32 $0x108;
	s8 =	sld [smem:$0x3FB2]  }
0x2e: {  	s3 =	simm.s32 @!p0 $0x1082;
	s9 =	sld [smem:$0x3FB3]  }
0x2f: {  	lr =	sadd.s32 s0, s3;
	s0 =	sld [smem:$0x3FAA]  }
0x30: {  	s3 =	sld [smem:$0x3FAD]  }
0x31: {  	[smem:$0x3FB6] =	sst s10  }
0x32: {  	s10 =	sld [smem:$0x3FB4];
	_ =	sdelay $0x3  }
0x33: {  	p0 =	seq.s32 s10, $0x1;
	s10 =	sld [smem:$0x3FB6];
	_ =	sdelay $0x3  }
0x34: {  	[smem:$0x3FB6] =	sst s10  }
0x35: {  	s10 =	sld [smem:$0x3FB5];
	_ =	sdelay $0x3  }
0x36: {  	p1 =	seq.s32 s10, $0x1;
	s10 =	sld [smem:$0x3FB6];
	_ =	sdelay $0x3  }
0x37: {  	[smem:$0x3FB6] =	sst s10  }
0x38: {  	s10 =	sld [smem:$0x3FB7]  }
0x39: {  	_ = 	snop;
	(pc) =	sbr.ind lr, $3  }
0x3a: {  	_ = 	snop  }
0x3b: {  	_ = 	snop  }
0x3c: {  	p2 =	seq.s32 s10, $0x1;
	s10 =	sld [smem:$0x3FB6]  }
0x3d: {  	_ =	shalt  }
0x3e: {  	_ =	shalt  }
0x3f: {  	_ =	shalt  }
0x40: {  	_ =	shalt  }
0x41: {  	_ =	shalt  }
0x42: {  	_ =	shalt  }
0x43: {  	_ =	shalt  }
0x44: {  	_ =	shalt  }
0x45: {  	_ =	shalt  }
0x46: {  	_ =	shalt  }
0x47: {  	_ =	shalt  }
0x48: {  	_ =	shalt  }
0x49: {  	_ =	shalt  }
0x4a: {  	_ =	shalt  }
0x4b: {  	_ =	shalt  }
0x4c: {  	_ =	shalt  }
0x4d: {  	_ =	shalt  }
0x4e: {  	_ =	shalt  }
0x4f: {  	_ =	shalt  }
0x50: {  	_ =	shalt  }
0x51: {  	_ =	shalt  }
0x52: {  	_ =	shalt  }
0x53: {  	_ =	shalt  }
0x54: {  	_ =	shalt  }
0x55: {  	_ =	shalt  }
0x56: {  	_ =	shalt  }
0x57: {  	_ =	shalt  }
0x58: {  	_ =	shalt  }
0x59: {  	_ =	shalt  }
0x5a: {  	_ =	shalt  }
0x5b: {  	_ =	shalt  }
0x5c: {  	_ =	shalt  }
0x5d: {  	_ =	shalt  }
0x5e: {  	_ =	shalt  }
0x5f: {  	_ =	shalt  }
0x60: {  	_ =	shalt  }
0x61: {  	_ =	shalt  }
0x62: {  	_ =	shalt  }
0x63: {  	_ =	shalt  }
0x64: {  	_ =	shalt  }
0x65: {  	_ =	shalt  }
0x66: {  	_ =	shalt  }
0x67: {  	_ =	shalt  }
0x68: {  	_ =	shalt  }
0x69: {  	_ =	shalt  }
0x6a: {  	_ =	shalt  }
0x6b: {  	_ =	shalt  }
0x6c: {  	_ =	shalt  }
0x6d: {  	_ =	shalt  }
0x6e: {  	_ =	shalt  }
0x6f: {  	_ =	shalt  }
0x70: {  	_ =	shalt  }
0x71: {  	_ =	shalt  }
0x72: {  	_ =	shalt  }
0x73: {  	_ =	shalt  }
0x74: {  	_ =	shalt  }
0x75: {  	_ =	shalt  }
0x76: {  	_ =	shalt  }
0x77: {  	_ =	shalt  }
0x78: {  	_ =	shalt  }
0x79: {  	_ =	shalt  }
0x7a: {  	_ =	shalt  }
0x7b: {  	_ =	shalt  }
0x7c: {  	_ =	shalt  }
0x7d: {  	_ =	shalt  }
0x7e: {  	_ =	shalt  }
0x7f: {  	_ =	shalt  }
0x80: {  	_ =	shalt  }
0x81: {  	_ =	shalt  }
0x82: {  	_ =	shalt  }
0x83: {  	_ =	shalt  }
0x84: {  	_ =	shalt  }
0x85: {  	_ =	shalt  }
0x86: {  	_ =	shalt  }
0x87: {  	_ =	shalt  }
.Lfunc_end0:
.L_simem_size_0:
called_computation_lowered:
.L_overlay_start_0:
0x88: {  	s2 =	sld [smem:$0x3FD9]  }
0x89: {  	s3 =	sld [smem:$0x3FFE];
	_ =	sdelay $0x1  }
0x8a: {  	s1 =	srdreg.scid  }
0x8b: {  	s0 =	sand.u32 $0x1, s1  }
0x8c: {  	s14 =	sshll.u32 s0, $0xA;
	s2 =	sadd.s32 s3, s2  }
0x8d: {  	s2 =	sadd.s32 s2, s14  }
0x8e: {  	[smem:$0x3FC2] =	sst s2  }
0x8f: {  	_ = 	snop  }
0x90: {  	s2 =	sld [smem:$0x3FD0];
	_ =	sdelay $0x2  }
0x91: {  	s15 =	simm.s32 $0xA;
	s4 =	simm.s32 $0x10  }
0x92: {  	[smem:s4], [sflag:s15] =	dma.local [hbm:s2], $0x1  }
0x93: {  	_ =	swait.eq [sflag:s15], $0x1  }
0x94: {  	[sflag:s15] =	ssyncset.done $0x0  }
0x95: {  	s16 =	sld [smem:$0x10];
	[sflag:s15] =	ssyncadd.s32 $0xFFFFFFFF  }
0x96: {  	s17 =	sld [smem:$0x11];
	(tm) =	ssettm $0x1  }
0x97: {  	s18 =	sld [smem:$0x3FFB];
	_ =	sdelay $0x3  }
0x98: {  	_ =	strace s18  }
0x99: {  	s4 =	sld [smem:$0x3FFC];
	_ =	sdelay $0x3  }
0x9a: {  	_ =	strace s4  }
0x9b: {  	s4 =	sld [smem:$0x3FFD];
	_ =	sdelay $0x3  }
0x9c: {  	_ =	strace s4  }
0x9d: {  	_ =	strace $0x8FFFFFFF  }
0x9e: {  	s19 =	sld [smem:$0x3FDB];
	_ =	sdelay $0x1  }
0x9f: {  	s5 =	simm.s32 $_scs_section_size  }
0xa0: {  	s6 =	simm.s32 $_size__tile_overlayer_lowered;
	s7 =	simm.s32 $_tile_overlayer_lowered  }
0xa1: {  	s22 =	simm.s32 $0x1BFF;
	s21 =	sshll.u32 s7, $0x1;
	s4 =	sadd.s32 s5, s19  }
0xa2: {  	s8 =	simm.s32 $0x0;
	s20 =	sshll.u32 s6, $0x1;
	s6 =	sadd.s32 s21, s4  }
0xa3: {  	[timem:s8], [sflag:s22] =	dma.local [hbm:s6], s20  }
0xa4: {  	_ =	swait.ge [sflag:s22], s20  }
0xa5: {  	s5 =	ssub.s32 $0x0, s20;
	[sflag:s22] =	ssyncset.done $0x0  }
0xa6: {  	[sflag:s22] =	ssyncadd.s32 s5;
	_ =	sdelay $0x1  }
0xa7: {  	s23 =	simm.s32 $0x1B8B  }
0xa8: {  	_ =	swait.ge [sflag:s23], $0x1  }
0xa9: {  	[sflag:s23] =	ssyncset.done $0x0  }
0xaa: {  	s25 =	simm.s32 $0x1B8E;
	s24 =	sld [smem:$0x3FFE];
	[sflag:s23] =	ssyncadd.s32 $0xFFFFFFFF  }
0xab: {  	s26 =	simm.s32 $execute0_lowered;
	[smem:$0x3FD2] =	sst s25  }
0xac: {  	s6 =	sshll.u32 s26, $0x1;
	_ =	strace $0x80000046;
	[dreg:$0x1] =	wrdreg $0xFFFFFFFF  }
0xad: {  	s28 =	simm.s32 $_size_execute0_lowered;
	s4 =	sadd.s32 s4, s6;
	[dreg:$0x0] =	wrdreg $0x0  }
0xae: {  	s6 =	sshll.u32 s28, $0x1;
	[dreg:$0x2] =	wrdreg s4  }
0xaf: {  	[dreg:$0x3] =	wrdreg s6  }
0xb0: {  	[dreg:$0x4] =	wrdreg $0xC0  }
0xb1: {  	_ =	task [dreg:s8], $0x5FFFF  }
0xb2: {  	[dreg:$0x1] =	wrdreg $0xFFFFFFFF  }
0xb3: {  	[dreg:$0x0] =	wrdreg $0x60  }
0xb4: {  	[dreg:$0x2] =	wrdreg s24  }
0xb5: {  	[dreg:$0x3] =	wrdreg s16  }
0xb6: {  	[dreg:$0x4] =	wrdreg s17  }
0xb7: {  	[dreg:$0x5] =	wrdreg $0x9  }
0xb8: {  	_ =	task.clear_ibuf [dreg:s8], $0x6FFFF;
	_ =	strace $0x90000046  }
0xb9: {  	s29 =	simm.s32 $0x9;
	_ =	strace $0x80000048  }
0xba: {  	_ =	swait.ge [sflag:s29], $0x1  }
0xbb: {  	[sflag:s29] =	ssyncadd.s32 $0xFFFFFFFF  }
0xbc: {  	_ =	strace $0x90000048  }
0xbd: {  	_ =	sfence  }
0xbe: {  	s30 =	sld [smem:$0x0];
	_ =	sdelay $0x2  }
0xbf: {  	s31 =	sshll.u32 s1, $0xD;
	s1 =	sshrl.u32 s1, $0x2  }
0xc0: {  	s3 =	sand.u32 $0x4000, s31;
	s1 =	sadd.s32 s1, s30  }
0xc1: {  	s0 =	sor.u32 s3, s0;
	s1 =	sshll.u32 s1, $0x11  }
0xc2: {  	s0 =	sor.u32 s1, s0  }
0xc3: {  	s0 =	sadd.s32 $0x8F2B, s0  }
0xc4: {  	[sflag:s0] =	ssyncadd.remote.s32 $0x1  }
0xc5: {  	_ =	sfence.sel $0xFFFF  }
0xc6: {  	[dreg:$0x0] =	wrdreg $0xFFFFFFFF;
	(pc) =	sbr.abs _section_cstart, $3  }
0xc7: {  	[dreg:$0x1] =	wrdreg $0xFFFFFFFF  }
0xc8: {  	_ =	task.clear_ibuf [dreg:s8], $0x2FFFF;
	_ =	strace $0x9FFFFFFF  }
0xc9: {  	(tm) =	ssettm $0x7FFFFFFF  }
tec
execute0_lowered:
.L_overlay_start_1:
0x0: {  	(tag) =	ssettag $0x1  }
0x1: {  	s0 =	rddreg [dreg:$0x0]  }
0x2: {  	s2 =	rddreg [dreg:$0x1]  }
0x3: {  	s1 =	rddreg [dreg:$0x2];
	s3 =	simm.s32 $0x0;
	s6 =	stileid.u32  }
0x4: {  	s5 =	srdreg.scid;
	s28 =	simm.s32 $0x2000;
	s29 =	simm.s32 $0xA000  }
0x5: {  	s30 =	simm.s32 $0x6000;
	s31 =	simm.s32 $0xE000;
	[smem:$0x7FF] =	sst s3  }
0x6: {  	s4 =	sshll.u32 s6, $0x7;
	s5 =	sand.u32 $0x1, s5;
	s6 =	sshll.u32 s6, $0x1  }
0x7: {  	_ =	strace $0x80000047;
	s4 =	sand.u32 $0x600, s4;
	s8 =	ssub.s32 $0x2, s5  }
0x8: {  	s5 =	sor.u32 s5, s6;
	s7 =	sadd.s32 s4, s0;
	s4 =	sadd.s32 $0x311000, s0  }
0x9: {  	s0 =	sadd.s32 $0x2C00, s0;
	s20 =	sshrl.u32 s8, $0x1;
	s9 =	sshll.u32 s5, $0x7  }
0xa: {  	s5 =	sshll.u32 s5, $0xD;
	s8 =	ssub.s32 s8, s20;
	s21 =	sadd.s32 $0x310000, s7  }
0xb: {  	s6 =	sand.u32 $0x380, s9;
	s7 =	sadd.s32 $0x310800, s7;
	s11 =	sadd.s32 s1, s5  }
0xc: {  	s12 =	sadd.s32 s0, s5;
	s25 =	sor.u32 $0x800, s5;
	s17 =	sor.u32 $0xC00, s9  }
0xd: {  	s18 =	sor.u32 $0x1C00, s9;
	s26 =	sor.u32 $0x1000, s5;
	[dreg:$0x4] =	wrdreg s21  }
0xe: {  	s5 =	sor.u32 $0x1800, s5;
	[dreg:$0x5] =	wrdreg s7;
	s22 =	sor.u32 $0x1000, s6  }
0xf: {  	s23 =	sor.u32 $0x400, s6;
	s24 =	sor.u32 $0x1400, s6;
	s13 =	sor.u32 $0x800, s6  }
0x10: {  	s14 =	sor.u32 $0x1800, s6;
	s15 =	sadd.s32 s1, s25;
	s16 =	sadd.s32 s0, s25  }
0x11: {  	s19 =	sadd.s32 s1, s26;
	s20 =	sadd.s32 s0, s26;
	s21 =	sadd.s32 s1, s5  }
0x12: {  	s26 =	simm.s32 $0x80;
	s1 =	simm.s32 $0x3;
	[dreg:$0x6] =	wrdreg s22  }
0x13: {  	s25 =	simm.s32 $0x2;
	s7 =	simm.s32 $0x0;
	[dreg:$0x7] =	wrdreg s23  }
0x14: {  	[dreg:$0x8] =	wrdreg s24;
	s22 =	sadd.s32 s0, s5;
	s23 =	smax.u32 s8, $0x1  }
0x15: {  	s24 =	simm.s32 $0x5;
	s0 =	simm.s32 $0x1;
	s5 =	simm.s32 $0x4  }
.LBB2_1:
0x16: {  	s8 =	rddreg [dreg:$0x4]  }
0x17: {  	[tilespmem:s3], [sflag:$0x5] =	stream.linear.gather [hbm4b:s8+s3], $0x1000, $0x38;
	[tilespmem:$0x12000] =	vst v63  }
0x18: {  	_ =	swait.ge [sflag:s24], $0x1000  }
0x19: {  	[sflag:s24] =	ssyncset.done $0x0  }
0x1a: {  	s9 =	simm.s32 $0x1000;
	s10 =	rddreg [dreg:$0x5];
	[sflag:s24] =	ssyncadd.s32 $0xFFFFF000  }
0x1b: {  	[tilespmem:s9], [sflag:$0x5] =	stream.linear.gather [hbm4b:s10+s3], $0x1000, $0x38;
	[tilespmem:$0x12000] =	vst v63  }
0x1c: {  	_ =	swait.ge [sflag:s24], $0x1000  }
0x1d: {  	[sflag:s24] =	ssyncset.done $0x0  }
0x1e: {  	[sflag:s24] =	ssyncadd.s32 $0xFFFFF000  }
0x1f: {  	[tilespmem:s28], [sflag:$0x1] =	stream.indirect.gather [hbm4b:s2+s26], $0x80, s6, s26, $0xb8;
	[tilespmem:$0x12000] =	vst v63  }
0x20: {  	s10 =	rddreg [dreg:$0x6]  }
0x21: {  	[tilespmem:s29], [sflag:$0x1] =	stream.indirect.gather [hbm4b:s4+s26], $0x80, s10, s26, $0xb8;
	[tilespmem:$0x12000] =	vst v63  }
0x22: {  	s9 =	rddreg [dreg:$0x7]  }
0x23: {  	[tilespmem:s30], [sflag:$0x2] =	stream.indirect.gather [hbm4b:s2+s26], $0x80, s9, s26, $0xb8;
	[tilespmem:$0x12000] =	vst v63  }
0x24: {  	s10 =	rddreg [dreg:$0x8]  }
0x25: {  	[tilespmem:s31], [sflag:$0x2] =	stream.indirect.gather [hbm4b:s4+s26], $0x80, s10, s26, $0xb8;
	[tilespmem:$0x12000] =	vst v63  }
0x26: {  	_ =	swait.ge [sflag:s0], $0x4000  }
0x27: {  	[sflag:s0] =	ssyncset.done $0x0  }
0x28: {  	[sflag:s0] =	ssyncadd.s32 $0xFFFFC000  }
0x29: {  	_ =	swait.ge [sflag:s0], $0x4000  }
0x2a: {  	[sflag:s0] =	ssyncset.done $0x0  }
0x2b: {  	s8 =	simm.s32 $0x0;
	[sflag:s0] =	ssyncadd.s32 $0xFFFFC000  }
0x2c: {  	v4 =	vld [tilespmem:s8+$0xA030]  }
0x2d: {  	v5 =	vld [tilespmem:s8+$0x2060]  }
0x2e: {  	v0 =	vld [tilespmem:s8+$0x2070]  }
0x2f: {  	v1 =	vld [tilespmem:s8+$0xA020]  }
0x30: {  	v2 =	vld [tilespmem:s8+$0xA010]  }
0x31: {  	v3 =	vld [tilespmem:s8+$0xA000];
	[tilespmem:s8+$0x2070] =	vst v4  }
0x32: {  	s9 =	simm.s32 $0x200;
	v4 =	vld [tilespmem:s8+$0x2050];
	[tilespmem:s8+$0xA020] =	vst v5  }
.LBB2_2:
0x33: {  	s10 =	sshra.s32 s9, $0x2;
	p0 =	sne.s32 s9, $0xFE00;
	s9 =	sadd.s32 $0x200, s9;
	v5 =	vld [tilespmem:s8+$0x2040];
	[tilespmem:s8+$0xA030] =	vst v0  }
0x34: {  	v6 =	vld [tilespmem:s10+$0xA030];
	[tilespmem:s8+$0x2060] =	vst v1  }
0x35: {  	v7 =	vld [tilespmem:s10+$0x2060];
	[tilespmem:s8+$0x2050] =	vst v2  }
.Ltmp0:
0x36: {  	v0 =	vld [tilespmem:s10+$0x2070];
	[tilespmem:s8+$0x2040] =	vst v3;
	(pc) =	sbr.rel @p0 .LBB2_2-.Ltmp0, $4  }
0x37: {  	v1 =	vld [tilespmem:s10+$0xA020];
	[tilespmem:s8+$0xA010] =	vst v4  }
0x38: {  	v2 =	vld [tilespmem:s10+$0xA010];
	[tilespmem:s8+$0xA000] =	vst v5;
	s8 =	smov.u32 s10  }
0x39: {  	v3 =	vld [tilespmem:s8+$0xA000];
	[tilespmem:s8+$0x2070] =	vst v6  }
0x3a: {  	v4 =	vld [tilespmem:s8+$0x2050];
	[tilespmem:s8+$0xA020] =	vst v7  }
0x3b: {  	v5 =	vld [tilespmem:s8+$0x2040];
	[tilespmem:s8+$0xA030] =	vst v0  }
0x3c: {  	[tilespmem:s8+$0x2060] =	vst v1  }
0x3d: {  	[tilespmem:s8+$0x2050] =	vst v2  }
0x3e: {  	[tilespmem:s8+$0x2040] =	vst v3  }
0x3f: {  	[tilespmem:s8+$0xA010] =	vst v4  }
0x40: {  	s10 =	simm.s32 $0x0;
	[tilespmem:s8+$0xA000] =	vst v5  }
0x41: {  	[hbm4b:s11+s10] =	stream.linear.scatter [tilespmem:s28], [sflag:$0x3], $0x4000, $0x38;
	[tilespmem:$0x12000] =	vst v63  }
0x42: {  	_ = 	snop  }
0x43: {  	[hbm4b:s12+s10] =	stream.linear.scatter [tilespmem:s29], [sflag:$0x3], $0x4000, $0x38;
	[tilespmem:$0x12000] =	vst v63  }
0x44: {  	_ =	swait.ge [sflag:s1], $0x4000  }
0x45: {  	[sflag:s1] =	ssyncset.done $0x0  }
0x46: {  	[sflag:s1] =	ssyncadd.s32 $0xFFFFC000  }
0x47: {  	_ =	swait.ge [sflag:s1], $0x4000  }
0x48: {  	[sflag:s1] =	ssyncset.done $0x0  }
0x49: {  	[sflag:s1] =	ssyncadd.s32 $0xFFFFC000  }
0x4a: {  	[tilespmem:s28], [sflag:$0x1] =	stream.indirect.gather [hbm4b:s2+s26], $0x80, s13, s26, $0xb8;
	[tilespmem:$0x12000] =	vst v63  }
0x4b: {  	_ = 	snop  }
0x4c: {  	[tilespmem:s29], [sflag:$0x1] =	stream.indirect.gather [hbm4b:s4+s26], $0x80, s14, s26, $0xb8;
	[tilespmem:$0x12000] =	vst v63  }
0x4d: {  	_ =	swait.ge [sflag:s25], $0x4000  }
0x4e: {  	[sflag:s25] =	ssyncset.done $0x0  }
0x4f: {  	[sflag:s25] =	ssyncadd.s32 $0xFFFFC000  }
0x50: {  	_ =	swait.ge [sflag:s25], $0x4000  }
0x51: {  	[sflag:s25] =	ssyncset.done $0x0  }
0x52: {  	s8 =	simm.s32 $0x0;
	[sflag:s25] =	ssyncadd.s32 $0xFFFFC000  }
0x53: {  	v4 =	vld [tilespmem:s8+$0xE030]  }
0x54: {  	v5 =	vld [tilespmem:s8+$0x6060]  }
0x55: {  	v0 =	vld [tilespmem:s8+$0x6070]  }
0x56: {  	v1 =	vld [tilespmem:s8+$0xE020]  }
0x57: {  	v2 =	vld [tilespmem:s8+$0xE010]  }
0x58: {  	v3 =	vld [tilespmem:s8+$0xE000];
	[tilespmem:s8+$0x6070] =	vst v4  }
0x59: {  	s9 =	simm.s32 $0x200;
	v4 =	vld [tilespmem:s8+$0x6050];
	[tilespmem:s8+$0xE020] =	vst v5  }
.LBB2_4:
0x5a: {  	s10 =	sshra.s32 s9, $0x2;
	p0 =	sne.s32 s9, $0xFE00;
	s9 =	sadd.s32 $0x200, s9;
	v5 =	vld [tilespmem:s8+$0x6040];
	[tilespmem:s8+$0xE030] =	vst v0  }
0x5b: {  	v6 =	vld [tilespmem:s10+$0xE030];
	[tilespmem:s8+$0x6060] =	vst v1  }
0x5c: {  	v7 =	vld [tilespmem:s10+$0x6060];
	[tilespmem:s8+$0x6050] =	vst v2  }
.Ltmp1:
0x5d: {  	v0 =	vld [tilespmem:s10+$0x6070];
	[tilespmem:s8+$0x6040] =	vst v3;
	(pc) =	sbr.rel @p0 .LBB2_4-.Ltmp1, $4  }
0x5e: {  	v1 =	vld [tilespmem:s10+$0xE020];
	[tilespmem:s8+$0xE010] =	vst v4  }
0x5f: {  	v2 =	vld [tilespmem:s10+$0xE010];
	[tilespmem:s8+$0xE000] =	vst v5;
	s8 =	smov.u32 s10  }
0x60: {  	v3 =	vld [tilespmem:s8+$0xE000];
	[tilespmem:s8+$0x6070] =	vst v6  }
0x61: {  	v4 =	vld [tilespmem:s8+$0x6050];
	[tilespmem:s8+$0xE020] =	vst v7  }
0x62: {  	v5 =	vld [tilespmem:s8+$0x6040];
	[tilespmem:s8+$0xE030] =	vst v0  }
0x63: {  	[tilespmem:s8+$0x6060] =	vst v1  }
0x64: {  	[tilespmem:s8+$0x6050] =	vst v2  }
0x65: {  	[tilespmem:s8+$0x6040] =	vst v3  }
0x66: {  	[tilespmem:s8+$0xE010] =	vst v4  }
0x67: {  	s10 =	simm.s32 $0x0;
	[tilespmem:s8+$0xE000] =	vst v5  }
0x68: {  	[hbm4b:s15+s10] =	stream.linear.scatter [tilespmem:s30], [sflag:$0x4], $0x4000, $0x38;
	[tilespmem:$0x12000] =	vst v63  }
0x69: {  	_ = 	snop  }
0x6a: {  	[hbm4b:s16+s10] =	stream.linear.scatter [tilespmem:s31], [sflag:$0x4], $0x4000, $0x38;
	[tilespmem:$0x12000] =	vst v63  }
0x6b: {  	_ =	swait.ge [sflag:s5], $0x4000  }
0x6c: {  	[sflag:s5] =	ssyncset.done $0x0  }
0x6d: {  	[sflag:s5] =	ssyncadd.s32 $0xFFFFC000  }
0x6e: {  	_ =	swait.ge [sflag:s5], $0x4000  }
0x6f: {  	[sflag:s5] =	ssyncset.done $0x0  }
0x70: {  	[sflag:s5] =	ssyncadd.s32 $0xFFFFC000  }
0x71: {  	[tilespmem:s30], [sflag:$0x2] =	stream.indirect.gather [hbm4b:s2+s26], $0x80, s17, s26, $0xb8;
	[tilespmem:$0x12000] =	vst v63  }
0x72: {  	_ = 	snop  }
0x73: {  	[tilespmem:s31], [sflag:$0x2] =	stream.indirect.gather [hbm4b:s4+s26], $0x80, s18, s26, $0xb8;
	[tilespmem:$0x12000] =	vst v63  }
0x74: {  	_ =	swait.ge [sflag:s0], $0x4000  }
0x75: {  	[sflag:s0] =	ssyncset.done $0x0  }
0x76: {  	[sflag:s0] =	ssyncadd.s32 $0xFFFFC000  }
0x77: {  	_ =	swait.ge [sflag:s0], $0x4000  }
0x78: {  	[sflag:s0] =	ssyncset.done $0x0  }
0x79: {  	s8 =	simm.s32 $0x0;
	[sflag:s0] =	ssyncadd.s32 $0xFFFFC000  }
0x7a: {  	v4 =	vld [tilespmem:s8+$0xA030]  }
0x7b: {  	v5 =	vld [tilespmem:s8+$0x2060]  }
0x7c: {  	v0 =	vld [tilespmem:s8+$0x2070]  }
0x7d: {  	v1 =	vld [tilespmem:s8+$0xA020]  }
0x7e: {  	v2 =	vld [tilespmem:s8+$0xA010]  }
0x7f: {  	v3 =	vld [tilespmem:s8+$0xA000];
	[tilespmem:s8+$0x2070] =	vst v4  }
0x80: {  	s9 =	simm.s32 $0x200;
	v4 =	vld [tilespmem:s8+$0x2050];
	[tilespmem:s8+$0xA020] =	vst v5  }
.LBB2_6:
0x81: {  	s10 =	sshra.s32 s9, $0x2;
	p0 =	sne.s32 s9, $0xFE00;
	s9 =	sadd.s32 $0x200, s9;
	v5 =	vld [tilespmem:s8+$0x2040];
	[tilespmem:s8+$0xA030] =	vst v0  }
0x82: {  	v6 =	vld [tilespmem:s10+$0xA030];
	[tilespmem:s8+$0x2060] =	vst v1  }
0x83: {  	v7 =	vld [tilespmem:s10+$0x2060];
	[tilespmem:s8+$0x2050] =	vst v2  }
.Ltmp2:
0x84: {  	v0 =	vld [tilespmem:s10+$0x2070];
	[tilespmem:s8+$0x2040] =	vst v3;
	(pc) =	sbr.rel @p0 .LBB2_6-.Ltmp2, $4  }
0x85: {  	v1 =	vld [tilespmem:s10+$0xA020];
	[tilespmem:s8+$0xA010] =	vst v4  }
0x86: {  	v2 =	vld [tilespmem:s10+$0xA010];
	[tilespmem:s8+$0xA000] =	vst v5;
	s8 =	smov.u32 s10  }
0x87: {  	v3 =	vld [tilespmem:s8+$0xA000];
	[tilespmem:s8+$0x2070] =	vst v6  }
0x88: {  	v4 =	vld [tilespmem:s8+$0x2050];
	[tilespmem:s8+$0xA020] =	vst v7  }
0x89: {  	v5 =	vld [tilespmem:s8+$0x2040];
	[tilespmem:s8+$0xA030] =	vst v0  }
0x8a: {  	[tilespmem:s8+$0x2060] =	vst v1  }
0x8b: {  	[tilespmem:s8+$0x2050] =	vst v2  }
0x8c: {  	[tilespmem:s8+$0x2040] =	vst v3  }
0x8d: {  	[tilespmem:s8+$0xA010] =	vst v4  }
0x8e: {  	s10 =	simm.s32 $0x0;
	[tilespmem:s8+$0xA000] =	vst v5  }
0x8f: {  	[hbm4b:s19+s10] =	stream.linear.scatter [tilespmem:s28], [sflag:$0x3], $0x4000, $0x38;
	[tilespmem:$0x12000] =	vst v63  }
0x90: {  	_ = 	snop  }
0x91: {  	[hbm4b:s20+s10] =	stream.linear.scatter [tilespmem:s29], [sflag:$0x3], $0x4000, $0x38;
	[tilespmem:$0x12000] =	vst v63  }
0x92: {  	_ =	swait.ge [sflag:s25], $0x4000  }
0x93: {  	[sflag:s25] =	ssyncset.done $0x0  }
0x94: {  	[sflag:s25] =	ssyncadd.s32 $0xFFFFC000  }
0x95: {  	_ =	swait.ge [sflag:s25], $0x4000  }
0x96: {  	[sflag:s25] =	ssyncset.done $0x0  }
0x97: {  	s8 =	simm.s32 $0x0;
	[sflag:s25] =	ssyncadd.s32 $0xFFFFC000  }
0x98: {  	v4 =	vld [tilespmem:s8+$0xE030]  }
0x99: {  	v5 =	vld [tilespmem:s8+$0x6060]  }
0x9a: {  	v0 =	vld [tilespmem:s8+$0x6070]  }
0x9b: {  	v1 =	vld [tilespmem:s8+$0xE020]  }
0x9c: {  	v2 =	vld [tilespmem:s8+$0xE010]  }
0x9d: {  	v3 =	vld [tilespmem:s8+$0xE000];
	[tilespmem:s8+$0x6070] =	vst v4  }
0x9e: {  	s9 =	simm.s32 $0x200;
	v4 =	vld [tilespmem:s8+$0x6050];
	[tilespmem:s8+$0xE020] =	vst v5  }
.LBB2_8:
0x9f: {  	s10 =	sshra.s32 s9, $0x2;
	p0 =	sne.s32 s9, $0xFE00;
	s9 =	sadd.s32 $0x200, s9;
	v5 =	vld [tilespmem:s8+$0x6040];
	[tilespmem:s8+$0xE030] =	vst v0  }
0xa0: {  	v6 =	vld [tilespmem:s10+$0xE030];
	[tilespmem:s8+$0x6060] =	vst v1  }
0xa1: {  	v7 =	vld [tilespmem:s10+$0x6060];
	[tilespmem:s8+$0x6050] =	vst v2  }
.Ltmp3:
0xa2: {  	v0 =	vld [tilespmem:s10+$0x6070];
	[tilespmem:s8+$0x6040] =	vst v3;
	(pc) =	sbr.rel @p0 .LBB2_8-.Ltmp3, $4  }
0xa3: {  	v1 =	vld [tilespmem:s10+$0xE020];
	[tilespmem:s8+$0xE010] =	vst v4  }
0xa4: {  	v2 =	vld [tilespmem:s10+$0xE010];
	[tilespmem:s8+$0xE000] =	vst v5;
	s8 =	smov.u32 s10  }
0xa5: {  	v3 =	vld [tilespmem:s8+$0xE000];
	[tilespmem:s8+$0x6070] =	vst v6  }
0xa6: {  	v4 =	vld [tilespmem:s8+$0x6050];
	[tilespmem:s8+$0xE020] =	vst v7  }
0xa7: {  	v5 =	vld [tilespmem:s8+$0x6040];
	[tilespmem:s8+$0xE030] =	vst v0  }
0xa8: {  	[tilespmem:s8+$0x6060] =	vst v1  }
0xa9: {  	[tilespmem:s8+$0x6050] =	vst v2  }
0xaa: {  	[tilespmem:s8+$0x6040] =	vst v3  }
0xab: {  	[tilespmem:s8+$0xE010] =	vst v4  }
0xac: {  	[tilespmem:s8+$0xE000] =	vst v5  }
0xad: {  	[hbm4b:s21+s3] =	stream.linear.scatter [tilespmem:s30], [sflag:$0x4], $0x4000, $0x38;
	[tilespmem:$0x12000] =	vst v63  }
0xae: {  	_ = 	snop  }
0xaf: {  	[hbm4b:s22+s3] =	stream.linear.scatter [tilespmem:s31], [sflag:$0x4], $0x4000, $0x38;
	[tilespmem:$0x12000] =	vst v63  }
0xb0: {  	_ =	swait.ge [sflag:s1], $0x4000  }
0xb1: {  	[sflag:s1] =	ssyncset.done $0x0  }
0xb2: {  	[sflag:s1] =	ssyncadd.s32 $0xFFFFC000  }
0xb3: {  	_ =	swait.ge [sflag:s1], $0x4000  }
0xb4: {  	[sflag:s1] =	ssyncset.done $0x0  }
0xb5: {  	s7 =	sadd.s32 $0x1, s7;
	[sflag:s1] =	ssyncadd.s32 $0xFFFFC000  }
0xb6: {  	p0 =	sne.s32 s7, s23;
	_ =	swait.ge [sflag:s5], $0x4000  }
.Ltmp4:
0xb7: {  	[sflag:s5] =	ssyncset.done $0x0;
	(pc) =	sbr.rel @p0 .LBB2_1-.Ltmp4, $4  }
0xb8: {  	[sflag:s5] =	ssyncadd.s32 $0xFFFFC000  }
0xb9: {  	_ =	swait.ge [sflag:s5], $0x4000  }
0xba: {  	[sflag:s5] =	ssyncset.done $0x0  }
0xbb: {  	[sflag:s5] =	ssyncadd.s32 $0xFFFFC000  }
0xbc: {  	_ =	sfence.sel $0x180000  }
0xbd: {  	[bflag:$0x0] =	sbarrier.arrive $0xFFFF  }
0xbe: {  	_ =	strace $0x90000047  }
0xbf: {  	s0 =	stileid.u32;
	[bflag:$0x2] =	sbarrier.arrive $0xFFFF  }
0xc0: {  	p0 =	sne.s32 s0, $0x0;
	s0 =	rddreg [dreg:$0x3]  }
0xc1: {  	s0 =	sadd.s32 @!p0 $0x100000, s0  }
0xc2: {  	[sflag:s0] =	ssyncadd.tile.s32 @!p0 $0x1;
	_ =	shalt  }
.Lfunc_end2:
_tile_overlayer_lowered:
.L_overlay_start_2:
0xc3: {  	(tag) =	ssettag $0x2  }
0xc4: {  	s0 =	rddreg [dreg:$0x0];
	s2 =	stileid.u32  }
0xc5: {  	s1 =	rddreg [dreg:$0x1];
	p0 =	sne.s32 s2, $0x0  }
0xc6: {  	s3 =	rddreg [dreg:$0x2];
	[bflag:$0x3] =	sbarrier.arrive $0xFFFF;
	s2 =	simm.s32 @!p0 $0x1C05  }
0xc7: {  	[timem:s3], [sflag:s2] =	dma.local @!p0 [hbm:s0], s1  }
0xc8: {  	s0 =	simm.s32 @!p0 $0x5  }
0xc9: {  	_ =	swait.ge @!p0 [sflag:s0], s1  }
0xca: {  	s1 =	ssub.s32 @!p0 $0x0, s1;
	[sflag:s0] =	ssyncset.done @!p0 $0x0  }
0xcb: {  	[sflag:s0] =	ssyncadd.s32 @!p0 s1  }
0xcc: {  	[bflag:$0x3] =	sbarrier.arrive $0xFFFF  }
0xcd: {  	_ =	shalt  }

</sc_bundles>
